<compile_context>
chip_gen: v7x
topology: tpu7x:2x2x1
jax: 0.10.2.dev20260603
libtpu: 0.0.44.dev20260713+nightly
codegen_flags: <defaults>
</compile_context>

<pallas_src>
import functools

import jax
import jax.numpy as jnp
from jax import lax
from jax.experimental import pallas as pl
from jax.experimental.pallas import tpu as pltpu
from jax.experimental.pallas import tpu_sc as plsc

E = 8
TOPK = 2
D = 1024
F = 2048
N = 4096
T = 256
TSHIFT = 8
NB = N // T
G = NB + E - 1

NW = 32
CHUNK = N // NW
GROWS = 32
LANES = 16


def _route_body(keys_hbm, hs_hbm, perm_hbm, gids_hbm, tids_hbm, offs_hbm,
                keys_v, sidx_v, src_v, rows_a, rows_b, meta_v, sem_a, sem_b):
    wid = lax.axis_index("s") * 2 + lax.axis_index("c")
    pbase = wid * CHUNK
    lanes = lax.iota(jnp.int32, LANES)

    pltpu.sync_copy(keys_hbm, keys_v)

    def hist_body(v, accs):
        kv = keys_v[pl.ds(v * LANES, LANES)]
        return tuple(accs[e] + jnp.where(kv == e, 1, 0).astype(jnp.int32)
                     for e in range(E))

    accs = lax.fori_loop(0, N // LANES, hist_body,
                         tuple(jnp.zeros((LANES,), jnp.int32) for _ in range(E)))
    totals = [jnp.sum(a) for a in accs]
    offs = [jnp.int32(0)]
    for e in range(E):
        offs.append(offs[-1] + totals[e])

    @pl.when(wid == 0)
    def _():
        t_start = [offs[e] >> TSHIFT for e in range(E)]
        t_end = [jnp.where(totals[e] > 0, (offs[e + 1] + T - 1) >> TSHIFT,
                           t_start[e]) for e in range(E)]
        cum = []
        acc = jnp.int32(0)
        for e in range(E):
            acc = acc + (t_end[e] - t_start[e])
            cum.append(acc)
        total = cum[E - 1]

        ov = jnp.zeros((LANES,), jnp.int32)
        for e in range(E + 1):
            ov = jnp.where(lanes == e, offs[e], ov)
        meta_v[pl.ds(0, LANES)] = ov
        pltpu.sync_copy(meta_v.at[pl.ds(0, LANES)], offs_hbm)

        for chunk in range(2):
            s_eff = jnp.minimum(lanes + chunk * LANES, total - 1)
            gid = jnp.zeros((LANES,), jnp.int32)
            for e in range(E - 1):
                gid = gid + jnp.where(s_eff >= cum[e], 1, 0).astype(jnp.int32)
            ts = jnp.zeros((LANES,), jnp.int32)
            sc = jnp.zeros((LANES,), jnp.int32)
            for e in range(E):
                ts = jnp.where(gid == e, t_start[e], ts)
                sc = jnp.where(gid == e, cum[e] - (t_end[e] - t_start[e]), sc)
            meta_v[pl.ds(chunk * LANES, LANES)] = gid
            meta_v[pl.ds(2 * LANES + chunk * LANES, LANES)] = ts + (s_eff - sc)
        pltpu.sync_copy(meta_v.at[pl.ds(0, 2 * LANES)], gids_hbm)
        pltpu.sync_copy(meta_v.at[pl.ds(2 * LANES, 2 * LANES)], tids_hbm)

    for e in range(E):
        lo = offs[e]
        hi = offs[e + 1]

        @pl.when((hi > pbase) & (lo < pbase + CHUNK))
        def _(e=e, lo=lo, hi=hi):
            needed = jnp.minimum(hi, pbase + CHUNK) - lo

            def pos_cond(carry):
                v, rc = carry
                return jnp.logical_and(v < N // LANES, rc < needed)

            def pos_body(carry):
                v, rc = carry
                kv = keys_v[pl.ds(v * LANES, LANES)]
                m = kv == e
                mi = jnp.where(m, 1, 0).astype(jnp.int32)
                cs = plsc.cumsum(mi)
                p = lo + rc + cs - 1
                inr = m & (p >= pbase) & (p < pbase + CHUNK)
                plsc.store_scatter(sidx_v, [p - pbase], lanes + v * LANES,
                                   mask=inr)
                return (v + 1, rc + jnp.sum(mi))

            lax.while_loop(pos_cond, pos_body, (jnp.int32(0), jnp.int32(0)))

    for v in range(CHUNK // LANES):
        sv = sidx_v[pl.ds(v * LANES, LANES)]
        src_v[pl.ds(v * LANES, LANES)] = lax.shift_right_logical(sv, 1)

    bufs = (rows_a, rows_b)
    sems = (sem_a, sem_b)
    nch = CHUNK // GROWS
    copies = [None] * nch
    for c in range(nch):
        copies[c] = pltpu.async_copy(
            hs_hbm.at[src_v.at[pl.ds(c * GROWS, GROWS)]], bufs[c % 2],
            sems[c % 2])
        if c > 0:
            copies[c - 1].wait()
            pltpu.sync_copy(bufs[(c - 1) % 2],
                            perm_hbm.at[pl.ds(pbase + (c - 1) * GROWS, GROWS)])
    copies[nch - 1].wait()
    pltpu.sync_copy(bufs[(nch - 1) % 2],
                    perm_hbm.at[pl.ds(pbase + (nch - 1) * GROWS, GROWS)])


@functools.cache
def _make_route():
    return pl.kernel(
        _route_body,
        out_type=(
            jax.ShapeDtypeStruct((N, D), jnp.float32),
            jax.ShapeDtypeStruct((2 * LANES,), jnp.int32),
            jax.ShapeDtypeStruct((2 * LANES,), jnp.int32),
            jax.ShapeDtypeStruct((LANES,), jnp.int32),
        ),
        mesh=plsc.VectorSubcoreMesh(core_axis_name="c", subcore_axis_name="s"),
        scratch_types=[
            pltpu.VMEM((N,), jnp.int32),
            pltpu.VMEM((CHUNK,), jnp.int32),
            pltpu.VMEM((CHUNK,), jnp.int32),
            pltpu.VMEM((GROWS, D), jnp.float32),
            pltpu.VMEM((GROWS, D), jnp.float32),
            pltpu.VMEM((4 * LANES,), jnp.int32),
            pltpu.SemaphoreType.DMA,
            pltpu.SemaphoreType.DMA,
        ],
        compiler_params=pltpu.CompilerParams(needs_layout_passes=False),
    )


def _gmm_body(gids, tids, offs, x_ref, w1_ref, w2_ref, out_ref):
    s = pl.program_id(0)
    e = gids[s]
    t = tids[s]
    row0 = t * T
    lo = jnp.clip(offs[e] - row0, 0, T)
    hi = jnp.clip(offs[e + 1] - row0, 0, T)

    x = x_ref[...]
    h = jnp.dot(x, w1_ref[0], preferred_element_type=jnp.float32)
    a = h[:, :F]
    b = h[:, F:]
    inter = (a * jax.nn.sigmoid(a)) * b
    y = jnp.dot(inter, w2_ref[0], preferred_element_type=jnp.float32)

    rows = lax.broadcasted_iota(jnp.int32, (T, 1), 0)
    m = (rows >= lo) & (rows < hi)
    is_first = jnp.logical_or(s == 0, tids[jnp.maximum(s - 1, 0)] != t)

    @pl.when(is_first)
    def _():
        out_ref[...] = jnp.where(m, y, 0.0)

    @pl.when(jnp.logical_not(is_first))
    def _():
        out_ref[...] = jnp.where(m, y, out_ref[...])


def kernel(hidden_states, tokens_per_expert, w1, w2):
    hs = hidden_states.reshape(-1, D)
    keys = tokens_per_expert.reshape(-1)

    permuted, gids, tids, offsets = _make_route()(keys, hs)

    grid_spec = pltpu.PrefetchScalarGridSpec(
        num_scalar_prefetch=3,
        grid=(G,),
        in_specs=[
            pl.BlockSpec((T, D), lambda s, gids, tids, offs: (tids[s], 0)),
            pl.BlockSpec((1, D, 2 * F), lambda s, gids, tids, offs: (gids[s], 0, 0)),
            pl.BlockSpec((1, F, D), lambda s, gids, tids, offs: (gids[s], 0, 0)),
        ],
        out_specs=pl.BlockSpec((T, D), lambda s, gids, tids, offs: (tids[s], 0)),
    )
    out = pl.pallas_call(
        _gmm_body,
        grid_spec=grid_spec,
        out_shape=jax.ShapeDtypeStruct((N, D), jnp.float32),
        compiler_params=pltpu.CompilerParams(
            vmem_limit_bytes=100 * 1024 * 1024),
    )(gids, tids, offsets, permuted, w1, w2)
    return out

# --- scband reference (transcript-rebuilt; emitter-appended) ---
"""Pipeline reference for scband-experts-41429254537622 (READ-ONLY COPY).

The authoritative reference and input builder live on the scoring server;
editing this copy changes nothing except your own understanding.
"""

import jax, jax.numpy as jnp
import numpy as np

NUM_EXPERTS = 8
TOPK = 2
BATCH = 1
SEQ = 2048
D_MODEL = 1024
D_FF = 2048  # expert_intermediate_size; w1 projects to 2*D_FF for SwiGLU


def swiglu(x):
    a, b = jnp.split(x, 2, axis=-1)
    return jax.nn.silu(a) * b


def setup_inputs(seed: int = 0) -> dict:
    key = jax.random.key(seed)
    k1, k2, k3, k4 = jax.random.split(key, 4)
    hidden_states = jax.random.normal(k1, (BATCH, SEQ, D_MODEL), dtype=jnp.float32)
    tokens_per_expert = jax.random.randint(k2, (BATCH, SEQ, TOPK), 0, NUM_EXPERTS, dtype=jnp.int32)
    w1 = jax.random.normal(k3, (NUM_EXPERTS, D_MODEL, 2 * D_FF), dtype=jnp.float32) * 0.02
    w2 = jax.random.normal(k4, (NUM_EXPERTS, D_FF, D_MODEL), dtype=jnp.float32) * 0.02
    return {"hidden_states": hidden_states, "tokens_per_expert": tokens_per_expert, "w1": w1, "w2": w2}


def reference(hidden_states, tokens_per_expert, w1, w2):
    # Faithful translation of Experts.forward:
    #  - flatten tokens, stable-argsort the flattened (token, k) expert assignments
    #  - gather (permute) tokens into expert-contiguous order (idx // topk)
    #  - run per-expert grouped SwiGLU MLP, selecting rows by sorted expert id
    #  - output stays in permuted order, same as the torch reference
    B, S, D = hidden_states.shape
    topk = tokens_per_expert.shape[-1]
    hs = hidden_states.reshape(-1, D)
    flat = tokens_per_expert.reshape(-1)
    sorted_idx = jnp.argsort(flat, stable=True)
    sorted_experts = jnp.take(flat, sorted_idx)
    permuted = jnp.take(hs, sorted_idx // topk, axis=0)
    output = jnp.zeros((B * S * topk, D), dtype=hidden_states.dtype)
    for e in range(NUM_EXPERTS):
        inter = swiglu(jnp.matmul(permuted, w1[e]))
        out_e = jnp.matmul(inter, w2[e])
        output = jnp.where((sorted_experts == e)[:, None], out_e, output)
    return output

if __name__ == "__main__":
    import jax
    _d = setup_inputs()
    print(jax.jit(kernel)(*tuple(_d.values())))

</pallas_src>

<mosaic_0001>
#map = affine_map<(d0, d1) -> (0)>
#map1 = affine_map<(d0, d1) -> (0, 0)>
module attributes {stable_mosaic.version = 14 : i64} {
  func.func @_route_body(%arg0: i32, %arg1: i32, %arg2: memref<4096xi32, #tpu.memory_space<hbm>>, %arg3: memref<2048x1024xf32, #tpu.memory_space<hbm>>, %arg4: memref<4096x1024xf32, #tpu.memory_space<hbm>>, %arg5: memref<32xi32, #tpu.memory_space<hbm>>, %arg6: memref<32xi32, #tpu.memory_space<hbm>>, %arg7: memref<16xi32, #tpu.memory_space<hbm>>, %arg8: memref<4096xi32, #tpu.memory_space<vmem>>, %arg9: memref<128xi32, #tpu.memory_space<vmem>>, %arg10: memref<128xi32, #tpu.memory_space<vmem>>, %arg11: memref<32x1024xf32, #tpu.memory_space<vmem>>, %arg12: memref<32x1024xf32, #tpu.memory_space<vmem>>, %arg13: memref<64xi32, #tpu.memory_space<vmem>>, %arg14: memref<!tpu.dma_semaphore, #tpu.memory_space<semaphore_mem>>, %arg15: memref<!tpu.dma_semaphore, #tpu.memory_space<semaphore_mem>>) attributes {dimension_semantics = [#tpu.dimension_semantics<core_parallel>, #tpu.dimension_semantics<subcore_parallel>], iteration_bounds = array<i64: 2, 16>, scalar_prefetch = 0 : i64, scratch_operands = 8 : i64, tpu.core_type = #tpu.core_type<sc_vector_subcore>, window_params = [{transform_indices = #map}, {transform_indices = #map1}, {transform_indices = #map1}, {transform_indices = #map}, {transform_indices = #map}, {transform_indices = #map}]} {
    %mul3A = arith.constant 2 : i32
    %mul3A_0 = arith.muli %arg1, %mul3A : i32
    %add3A = arith.addi %mul3A_0, %arg0 : i32
    %mul3A_1 = arith.constant 128 : i32
    %mul3A_2 = arith.muli %add3A, %mul3A_1 : i32
    %iota3A = tpu.iota {dimensions = array<i32: 0>} : vector<16xi32>
    "tpu.region"() ({
      %run_scoped3A = tpu.sem_alloc : memref<!tpu.dma_semaphore, #tpu.memory_space<semaphore_mem>>
      tpu.enqueue_dma source(%arg2 : memref<4096xi32, #tpu.memory_space<hbm>>) target(%arg8 : memref<4096xi32, #tpu.memory_space<vmem>>) target_semaphore(%run_scoped3A : memref<!tpu.dma_semaphore, #tpu.memory_space<semaphore_mem>>)
      tpu.wait_dma2 semaphore(%run_scoped3A : memref<!tpu.dma_semaphore, #tpu.memory_space<semaphore_mem>>) src(%arg2 : memref<4096xi32, #tpu.memory_space<hbm>>) dst(%arg8 : memref<4096xi32, #tpu.memory_space<vmem>>)
      tpu.yield
    }) : () -> ()
    %broadcast_in_dim3A = arith.constant 0 : i32
    %broadcast_in_dim3A_3 = vector.broadcast %broadcast_in_dim3A : i32 to vector<16xi32>
    %broadcast_in_dim3A_4 = arith.constant 0 : i32
    %broadcast_in_dim3A_5 = vector.broadcast %broadcast_in_dim3A_4 : i32 to vector<16xi32>
    %broadcast_in_dim3A_6 = arith.constant 0 : i32
    %broadcast_in_dim3A_7 = vector.broadcast %broadcast_in_dim3A_6 : i32 to vector<16xi32>
    %broadcast_in_dim3A_8 = arith.constant 0 : i32
    %broadcast_in_dim3A_9 = vector.broadcast %broadcast_in_dim3A_8 : i32 to vector<16xi32>
    %broadcast_in_dim3A_10 = arith.constant 0 : i32
    %broadcast_in_dim3A_11 = vector.broadcast %broadcast_in_dim3A_10 : i32 to vector<16xi32>
    %broadcast_in_dim3A_12 = arith.constant 0 : i32
    %broadcast_in_dim3A_13 = vector.broadcast %broadcast_in_dim3A_12 : i32 to vector<16xi32>
    %broadcast_in_dim3A_14 = arith.constant 0 : i32
    %broadcast_in_dim3A_15 = vector.broadcast %broadcast_in_dim3A_14 : i32 to vector<16xi32>
    %broadcast_in_dim3A_16 = arith.constant 0 : i32
    %broadcast_in_dim3A_17 = vector.broadcast %broadcast_in_dim3A_16 : i32 to vector<16xi32>
    %scan3A = arith.constant 0 : i32
    %scan3A_18 = arith.constant 256 : i32
    %scan3A_19 = arith.addi %scan3A, %scan3A_18 : i32
    %scan3A_20 = arith.constant 1 : i32
    %scan3A_21:8 = scf.for %scan3A_228 = %scan3A to %scan3A_19 step %scan3A_20 iter_args(%scan3A_229 = %broadcast_in_dim3A_3, %scan3A_230 = %broadcast_in_dim3A_5, %scan3A_231 = %broadcast_in_dim3A_7, %scan3A_232 = %broadcast_in_dim3A_9, %scan3A_233 = %broadcast_in_dim3A_11, %scan3A_234 = %broadcast_in_dim3A_13, %scan3A_235 = %broadcast_in_dim3A_15, %scan3A_236 = %broadcast_in_dim3A_17) -> (vector<16xi32>, vector<16xi32>, vector<16xi32>, vector<16xi32>, vector<16xi32>, vector<16xi32>, vector<16xi32>, vector<16xi32>)  : i32 {
      %mul3A_237 = arith.constant 16 : i32
      %mul3A_238 = arith.muli %scan3A_228, %mul3A_237 : i32
      %get3A_239 = arith.index_cast %mul3A_238 : i32 to index
      %get3A_240 = tpu.vector_load %arg8[%get3A_239] {strides = array<i32>} : memref<4096xi32, #tpu.memory_space<vmem>>, vector<16xi32>,
      %eq3A_241 = arith.constant 0 : i32
      %eq3A_242 = vector.broadcast %eq3A_241 : i32 to vector<16xi32>
      %eq3A_243 = arith.cmpi eq, %get3A_240, %eq3A_242 : vector<16xi32>
      %jit3A = arith.constant 1 : i32
      %jit3A_244 = arith.constant 0 : i32
      %broadcast_in_dim3A_245 = vector.broadcast %jit3A : i32 to vector<16xi32>
      %broadcast_in_dim3A_246 = vector.broadcast %jit3A_244 : i32 to vector<16xi32>
      %select_n3A = arith.select %eq3A_243, %broadcast_in_dim3A_245, %broadcast_in_dim3A_246 : vector<16xi1>, vector<16xi32>
      %add3A_247 = arith.addi %scan3A_229, %select_n3A : vector<16xi32>
      %eq3A_248 = arith.constant 1 : i32
      %eq3A_249 = vector.broadcast %eq3A_248 : i32 to vector<16xi32>
      %eq3A_250 = arith.cmpi eq, %get3A_240, %eq3A_249 : vector<16xi32>
      %jit3A_251 = arith.constant 1 : i32
      %jit3A_252 = arith.constant 0 : i32
      %broadcast_in_dim3A_253 = vector.broadcast %jit3A_251 : i32 to vector<16xi32>
      %broadcast_in_dim3A_254 = vector.broadcast %jit3A_252 : i32 to vector<16xi32>
      %select_n3A_255 = arith.select %eq3A_250, %broadcast_in_dim3A_253, %broadcast_in_dim3A_254 : vector<16xi1>, vector<16xi32>
      %add3A_256 = arith.addi %scan3A_230, %select_n3A_255 : vector<16xi32>
      %eq3A_257 = arith.constant 2 : i32
      %eq3A_258 = vector.broadcast %eq3A_257 : i32 to vector<16xi32>
      %eq3A_259 = arith.cmpi eq, %get3A_240, %eq3A_258 : vector<16xi32>
      %jit3A_260 = arith.constant 1 : i32
      %jit3A_261 = arith.constant 0 : i32
      %broadcast_in_dim3A_262 = vector.broadcast %jit3A_260 : i32 to vector<16xi32>
      %broadcast_in_dim3A_263 = vector.broadcast %jit3A_261 : i32 to vector<16xi32>
      %select_n3A_264 = arith.select %eq3A_259, %broadcast_in_dim3A_262, %broadcast_in_dim3A_263 : vector<16xi1>, vector<16xi32>
      %add3A_265 = arith.addi %scan3A_231, %select_n3A_264 : vector<16xi32>
      %eq3A_266 = arith.constant 3 : i32
      %eq3A_267 = vector.broadcast %eq3A_266 : i32 to vector<16xi32>
      %eq3A_268 = arith.cmpi eq, %get3A_240, %eq3A_267 : vector<16xi32>
      %jit3A_269 = arith.constant 1 : i32
      %jit3A_270 = arith.constant 0 : i32
      %broadcast_in_dim3A_271 = vector.broadcast %jit3A_269 : i32 to vector<16xi32>
      %broadcast_in_dim3A_272 = vector.broadcast %jit3A_270 : i32 to vector<16xi32>
      %select_n3A_273 = arith.select %eq3A_268, %broadcast_in_dim3A_271, %broadcast_in_dim3A_272 : vector<16xi1>, vector<16xi32>
      %add3A_274 = arith.addi %scan3A_232, %select_n3A_273 : vector<16xi32>
      %eq3A_275 = arith.constant 4 : i32
      %eq3A_276 = vector.broadcast %eq3A_275 : i32 to vector<16xi32>
      %eq3A_277 = arith.cmpi eq, %get3A_240, %eq3A_276 : vector<16xi32>
      %jit3A_278 = arith.constant 1 : i32
      %jit3A_279 = arith.constant 0 : i32
      %broadcast_in_dim3A_280 = vector.broadcast %jit3A_278 : i32 to vector<16xi32>
      %broadcast_in_dim3A_281 = vector.broadcast %jit3A_279 : i32 to vector<16xi32>
      %select_n3A_282 = arith.select %eq3A_277, %broadcast_in_dim3A_280, %broadcast_in_dim3A_281 : vector<16xi1>, vector<16xi32>
      %add3A_283 = arith.addi %scan3A_233, %select_n3A_282 : vector<16xi32>
      %eq3A_284 = arith.constant 5 : i32
      %eq3A_285 = vector.broadcast %eq3A_284 : i32 to vector<16xi32>
      %eq3A_286 = arith.cmpi eq, %get3A_240, %eq3A_285 : vector<16xi32>
      %jit3A_287 = arith.constant 1 : i32
      %jit3A_288 = arith.constant 0 : i32
      %broadcast_in_dim3A_289 = vector.broadcast %jit3A_287 : i32 to vector<16xi32>
      %broadcast_in_dim3A_290 = vector.broadcast %jit3A_288 : i32 to vector<16xi32>
      %select_n3A_291 = arith.select %eq3A_286, %broadcast_in_dim3A_289, %broadcast_in_dim3A_290 : vector<16xi1>, vector<16xi32>
      %add3A_292 = arith.addi %scan3A_234, %select_n3A_291 : vector<16xi32>
      %eq3A_293 = arith.constant 6 : i32
      %eq3A_294 = vector.broadcast %eq3A_293 : i32 to vector<16xi32>
      %eq3A_295 = arith.cmpi eq, %get3A_240, %eq3A_294 : vector<16xi32>
      %jit3A_296 = arith.constant 1 : i32
      %jit3A_297 = arith.constant 0 : i32
      %broadcast_in_dim3A_298 = vector.broadcast %jit3A_296 : i32 to vector<16xi32>
      %broadcast_in_dim3A_299 = vector.broadcast %jit3A_297 : i32 to vector<16xi32>
      %select_n3A_300 = arith.select %eq3A_295, %broadcast_in_dim3A_298, %broadcast_in_dim3A_299 : vector<16xi1>, vector<16xi32>
      %add3A_301 = arith.addi %scan3A_235, %select_n3A_300 : vector<16xi32>
      %eq3A_302 = arith.constant 7 : i32
      %eq3A_303 = vector.broadcast %eq3A_302 : i32 to vector<16xi32>
      %eq3A_304 = arith.cmpi eq, %get3A_240, %eq3A_303 : vector<16xi32>
      %jit3A_305 = arith.constant 1 : i32
      %jit3A_306 = arith.constant 0 : i32
      %broadcast_in_dim3A_307 = vector.broadcast %jit3A_305 : i32 to vector<16xi32>
      %broadcast_in_dim3A_308 = vector.broadcast %jit3A_306 : i32 to vector<16xi32>
      %select_n3A_309 = arith.select %eq3A_304, %broadcast_in_dim3A_307, %broadcast_in_dim3A_308 : vector<16xi1>, vector<16xi32>
      %add3A_310 = arith.addi %scan3A_236, %select_n3A_309 : vector<16xi32>
      scf.yield %add3A_247, %add3A_256, %add3A_265, %add3A_274, %add3A_283, %add3A_292, %add3A_301, %add3A_310 : vector<16xi32>, vector<16xi32>, vector<16xi32>, vector<16xi32>, vector<16xi32>, vector<16xi32>, vector<16xi32>, vector<16xi32>
    }
    %scan3A_22 = arith.constant 256 : i32
    %reduce_sum3A = arith.constant true
    %reduce_sum3A_23 = vector.broadcast %reduce_sum3A : i1 to vector<16xi1>
    %reduce_sum3A_24 = tpu.scan <sum>, %scan3A_21#0 masked %reduce_sum3A_23 : vector<16xi32>, vector<16xi1> -> vector<16xi32>
    %reduce_sum3A_25 = vector.extract %reduce_sum3A_24[15] : i32 from vector<16xi32>
    %reduce_sum3A_26 = arith.constant true
    %reduce_sum3A_27 = vector.broadcast %reduce_sum3A_26 : i1 to vector<16xi1>
    %reduce_sum3A_28 = tpu.scan <sum>, %scan3A_21#1 masked %reduce_sum3A_27 : vector<16xi32>, vector<16xi1> -> vector<16xi32>
    %reduce_sum3A_29 = vector.extract %reduce_sum3A_28[15] : i32 from vector<16xi32>
    %reduce_sum3A_30 = arith.constant true
    %reduce_sum3A_31 = vector.broadcast %reduce_sum3A_30 : i1 to vector<16xi1>
    %reduce_sum3A_32 = tpu.scan <sum>, %scan3A_21#2 masked %reduce_sum3A_31 : vector<16xi32>, vector<16xi1> -> vector<16xi32>
    %reduce_sum3A_33 = vector.extract %reduce_sum3A_32[15] : i32 from vector<16xi32>
    %reduce_sum3A_34 = arith.constant true
    %reduce_sum3A_35 = vector.broadcast %reduce_sum3A_34 : i1 to vector<16xi1>
    %reduce_sum3A_36 = tpu.scan <sum>, %scan3A_21#3 masked %reduce_sum3A_35 : vector<16xi32>, vector<16xi1> -> vector<16xi32>
    %reduce_sum3A_37 = vector.extract %reduce_sum3A_36[15] : i32 from vector<16xi32>
    %reduce_sum3A_38 = arith.constant true
    %reduce_sum3A_39 = vector.broadcast %reduce_sum3A_38 : i1 to vector<16xi1>
    %reduce_sum3A_40 = tpu.scan <sum>, %scan3A_21#4 masked %reduce_sum3A_39 : vector<16xi32>, vector<16xi1> -> vector<16xi32>
    %reduce_sum3A_41 = vector.extract %reduce_sum3A_40[15] : i32 from vector<16xi32>
    %reduce_sum3A_42 = arith.constant true
    %reduce_sum3A_43 = vector.broadcast %reduce_sum3A_42 : i1 to vector<16xi1>
    %reduce_sum3A_44 = tpu.scan <sum>, %scan3A_21#5 masked %reduce_sum3A_43 : vector<16xi32>, vector<16xi1> -> vector<16xi32>
    %reduce_sum3A_45 = vector.extract %reduce_sum3A_44[15] : i32 from vector<16xi32>
    %reduce_sum3A_46 = arith.constant true
    %reduce_sum3A_47 = vector.broadcast %reduce_sum3A_46 : i1 to vector<16xi1>
    %reduce_sum3A_48 = tpu.scan <sum>, %scan3A_21#6 masked %reduce_sum3A_47 : vector<16xi32>, vector<16xi1> -> vector<16xi32>
    %reduce_sum3A_49 = vector.extract %reduce_sum3A_48[15] : i32 from vector<16xi32>
    %reduce_sum3A_50 = arith.constant true
    %reduce_sum3A_51 = vector.broadcast %reduce_sum3A_50 : i1 to vector<16xi1>
    %reduce_sum3A_52 = tpu.scan <sum>, %scan3A_21#7 masked %reduce_sum3A_51 : vector<16xi32>, vector<16xi1> -> vector<16xi32>
    %reduce_sum3A_53 = vector.extract %reduce_sum3A_52[15] : i32 from vector<16xi32>
    %add3A_54 = arith.constant 0 : i32
    %add3A_55 = arith.addi %add3A_54, %reduce_sum3A_25 : i32
    %add3A_56 = arith.addi %add3A_55, %reduce_sum3A_29 : i32
    %add3A_57 = arith.addi %add3A_56, %reduce_sum3A_33 : i32
    %add3A_58 = arith.addi %add3A_57, %reduce_sum3A_37 : i32
    %add3A_59 = arith.addi %add3A_58, %reduce_sum3A_41 : i32
    %add3A_60 = arith.addi %add3A_59, %reduce_sum3A_45 : i32
    %add3A_61 = arith.addi %add3A_60, %reduce_sum3A_49 : i32
    %add3A_62 = arith.addi %add3A_61, %reduce_sum3A_53 : i32
    %eq3A = arith.constant 0 : i32
    %eq3A_63 = arith.cmpi eq, %add3A, %eq3A : i32
    %convert_element_type3A = arith.extui %eq3A_63 : i1 to i32
    %cond3A = arith.constant 0 : i32
    %cond3A_64 = arith.constant 0 : i32
    %cond3A_65 = arith.cmpi ne, %convert_element_type3A, %cond3A_64 : i32
    scf.if %cond3A_65 {
      %shift_right_arithmetic3A = arith.constant 8 : i32
      %shift_right_arithmetic3A_228 = arith.shrsi %cond3A, %shift_right_arithmetic3A : i32
      %shift_right_arithmetic3A_229 = arith.constant 8 : i32
      %shift_right_arithmetic3A_230 = arith.shrsi %add3A_55, %shift_right_arithmetic3A_229 : i32
      %shift_right_arithmetic3A_231 = arith.constant 8 : i32
      %shift_right_arithmetic3A_232 = arith.shrsi %add3A_56, %shift_right_arithmetic3A_231 : i32
      %shift_right_arithmetic3A_233 = arith.constant 8 : i32
      %shift_right_arithmetic3A_234 = arith.shrsi %add3A_57, %shift_right_arithmetic3A_233 : i32
      %shift_right_arithmetic3A_235 = arith.constant 8 : i32
      %shift_right_arithmetic3A_236 = arith.shrsi %add3A_58, %shift_right_arithmetic3A_235 : i32
      %shift_right_arithmetic3A_237 = arith.constant 8 : i32
      %shift_right_arithmetic3A_238 = arith.shrsi %add3A_59, %shift_right_arithmetic3A_237 : i32
      %shift_right_arithmetic3A_239 = arith.constant 8 : i32
      %shift_right_arithmetic3A_240 = arith.shrsi %add3A_60, %shift_right_arithmetic3A_239 : i32
      %shift_right_arithmetic3A_241 = arith.constant 8 : i32
      %shift_right_arithmetic3A_242 = arith.shrsi %add3A_61, %shift_right_arithmetic3A_241 : i32
      %gt3A_243 = arith.constant 0 : i32
      %gt3A_244 = arith.cmpi sgt, %reduce_sum3A_25, %gt3A_243 : i32
      %add3A_245 = arith.constant 256 : i32
      %add3A_246 = arith.addi %add3A_55, %add3A_245 : i32
      %sub3A = arith.constant 1 : i32
      %sub3A_247 = arith.subi %add3A_246, %sub3A : i32
      %shift_right_arithmetic3A_248 = arith.constant 8 : i32
      %shift_right_arithmetic3A_249 = arith.shrsi %sub3A_247, %shift_right_arithmetic3A_248 : i32
      %select_n3A = arith.select %gt3A_244, %shift_right_arithmetic3A_249, %shift_right_arithmetic3A_228 : i32
      %gt3A_250 = arith.constant 0 : i32
      %gt3A_251 = arith.cmpi sgt, %reduce_sum3A_29, %gt3A_250 : i32
      %add3A_252 = arith.constant 256 : i32
      %add3A_253 = arith.addi %add3A_56, %add3A_252 : i32
      %sub3A_254 = arith.constant 1 : i32
      %sub3A_255 = arith.subi %add3A_253, %sub3A_254 : i32
      %shift_right_arithmetic3A_256 = arith.constant 8 : i32
      %shift_right_arithmetic3A_257 = arith.shrsi %sub3A_255, %shift_right_arithmetic3A_256 : i32
      %select_n3A_258 = arith.select %gt3A_251, %shift_right_arithmetic3A_257, %shift_right_arithmetic3A_230 : i32
      %gt3A_259 = arith.constant 0 : i32
      %gt3A_260 = arith.cmpi sgt, %reduce_sum3A_33, %gt3A_259 : i32
      %add3A_261 = arith.constant 256 : i32
      %add3A_262 = arith.addi %add3A_57, %add3A_261 : i32
      %sub3A_263 = arith.constant 1 : i32
      %sub3A_264 = arith.subi %add3A_262, %sub3A_263 : i32
      %shift_right_arithmetic3A_265 = arith.constant 8 : i32
      %shift_right_arithmetic3A_266 = arith.shrsi %sub3A_264, %shift_right_arithmetic3A_265 : i32
      %select_n3A_267 = arith.select %gt3A_260, %shift_right_arithmetic3A_266, %shift_right_arithmetic3A_232 : i32
      %gt3A_268 = arith.constant 0 : i32
      %gt3A_269 = arith.cmpi sgt, %reduce_sum3A_37, %gt3A_268 : i32
      %add3A_270 = arith.constant 256 : i32
      %add3A_271 = arith.addi %add3A_58, %add3A_270 : i32
      %sub3A_272 = arith.constant 1 : i32
      %sub3A_273 = arith.subi %add3A_271, %sub3A_272 : i32
      %shift_right_arithmetic3A_274 = arith.constant 8 : i32
      %shift_right_arithmetic3A_275 = arith.shrsi %sub3A_273, %shift_right_arithmetic3A_274 : i32
      %select_n3A_276 = arith.select %gt3A_269, %shift_right_arithmetic3A_275, %shift_right_arithmetic3A_234 : i32
      %gt3A_277 = arith.constant 0 : i32
      %gt3A_278 = arith.cmpi sgt, %reduce_sum3A_41, %gt3A_277 : i32
      %add3A_279 = arith.constant 256 : i32
      %add3A_280 = arith.addi %add3A_59, %add3A_279 : i32
      %sub3A_281 = arith.constant 1 : i32
      %sub3A_282 = arith.subi %add3A_280, %sub3A_281 : i32
      %shift_right_arithmetic3A_283 = arith.constant 8 : i32
      %shift_right_arithmetic3A_284 = arith.shrsi %sub3A_282, %shift_right_arithmetic3A_283 : i32
      %select_n3A_285 = arith.select %gt3A_278, %shift_right_arithmetic3A_284, %shift_right_arithmetic3A_236 : i32
      %gt3A_286 = arith.constant 0 : i32
      %gt3A_287 = arith.cmpi sgt, %reduce_sum3A_45, %gt3A_286 : i32
      %add3A_288 = arith.constant 256 : i32
      %add3A_289 = arith.addi %add3A_60, %add3A_288 : i32
      %sub3A_290 = arith.constant 1 : i32
      %sub3A_291 = arith.subi %add3A_289, %sub3A_290 : i32
      %shift_right_arithmetic3A_292 = arith.constant 8 : i32
      %shift_right_arithmetic3A_293 = arith.shrsi %sub3A_291, %shift_right_arithmetic3A_292 : i32
      %select_n3A_294 = arith.select %gt3A_287, %shift_right_arithmetic3A_293, %shift_right_arithmetic3A_238 : i32
      %gt3A_295 = arith.constant 0 : i32
      %gt3A_296 = arith.cmpi sgt, %reduce_sum3A_49, %gt3A_295 : i32
      %add3A_297 = arith.constant 256 : i32
      %add3A_298 = arith.addi %add3A_61, %add3A_297 : i32
      %sub3A_299 = arith.constant 1 : i32
      %sub3A_300 = arith.subi %add3A_298, %sub3A_299 : i32
      %shift_right_arithmetic3A_301 = arith.constant 8 : i32
      %shift_right_arithmetic3A_302 = arith.shrsi %sub3A_300, %shift_right_arithmetic3A_301 : i32
      %select_n3A_303 = arith.select %gt3A_296, %shift_right_arithmetic3A_302, %shift_right_arithmetic3A_240 : i32
      %gt3A_304 = arith.constant 0 : i32
      %gt3A_305 = arith.cmpi sgt, %reduce_sum3A_53, %gt3A_304 : i32
      %add3A_306 = arith.constant 256 : i32
      %add3A_307 = arith.addi %add3A_62, %add3A_306 : i32
      %sub3A_308 = arith.constant 1 : i32
      %sub3A_309 = arith.subi %add3A_307, %sub3A_308 : i32
      %shift_right_arithmetic3A_310 = arith.constant 8 : i32
      %shift_right_arithmetic3A_311 = arith.shrsi %sub3A_309, %shift_right_arithmetic3A_310 : i32
      %select_n3A_312 = arith.select %gt3A_305, %shift_right_arithmetic3A_311, %shift_right_arithmetic3A_242 : i32
      %sub3A_313 = arith.subi %select_n3A, %shift_right_arithmetic3A_228 : i32
      %add3A_314 = arith.constant 0 : i32
      %add3A_315 = arith.addi %add3A_314, %sub3A_313 : i32
      %sub3A_316 = arith.subi %select_n3A_258, %shift_right_arithmetic3A_230 : i32
      %add3A_317 = arith.addi %add3A_315, %sub3A_316 : i32
      %sub3A_318 = arith.subi %select_n3A_267, %shift_right_arithmetic3A_232 : i32
      %add3A_319 = arith.addi %add3A_317, %sub3A_318 : i32
      %sub3A_320 = arith.subi %select_n3A_276, %shift_right_arithmetic3A_234 : i32
      %add3A_321 = arith.addi %add3A_319, %sub3A_320 : i32
      %sub3A_322 = arith.subi %select_n3A_285, %shift_right_arithmetic3A_236 : i32
      %add3A_323 = arith.addi %add3A_321, %sub3A_322 : i32
      %sub3A_324 = arith.subi %select_n3A_294, %shift_right_arithmetic3A_238 : i32
      %add3A_325 = arith.addi %add3A_323, %sub3A_324 : i32
      %sub3A_326 = arith.subi %select_n3A_303, %shift_right_arithmetic3A_240 : i32
      %add3A_327 = arith.addi %add3A_325, %sub3A_326 : i32
      %sub3A_328 = arith.subi %select_n3A_312, %shift_right_arithmetic3A_242 : i32
      %add3A_329 = arith.addi %add3A_327, %sub3A_328 : i32
      %broadcast_in_dim3A_330 = arith.constant 0 : i32
      %broadcast_in_dim3A_331 = vector.broadcast %broadcast_in_dim3A_330 : i32 to vector<16xi32>
      %eq3A_332 = arith.constant 0 : i32
      %eq3A_333 = vector.broadcast %eq3A_332 : i32 to vector<16xi32>
      %eq3A_334 = arith.cmpi eq, %iota3A, %eq3A_333 : vector<16xi32>
      %broadcast_in_dim3A_335 = vector.broadcast %cond3A : i32 to vector<16xi32>
      %select_n3A_336 = arith.select %eq3A_334, %broadcast_in_dim3A_335, %broadcast_in_dim3A_331 : vector<16xi1>, vector<16xi32>
      %eq3A_337 = arith.constant 1 : i32
      %eq3A_338 = vector.broadcast %eq3A_337 : i32 to vector<16xi32>
      %eq3A_339 = arith.cmpi eq, %iota3A, %eq3A_338 : vector<16xi32>
      %broadcast_in_dim3A_340 = vector.broadcast %add3A_55 : i32 to vector<16xi32>
      %select_n3A_341 = arith.select %eq3A_339, %broadcast_in_dim3A_340, %select_n3A_336 : vector<16xi1>, vector<16xi32>
      %eq3A_342 = arith.constant 2 : i32
      %eq3A_343 = vector.broadcast %eq3A_342 : i32 to vector<16xi32>
      %eq3A_344 = arith.cmpi eq, %iota3A, %eq3A_343 : vector<16xi32>
      %broadcast_in_dim3A_345 = vector.broadcast %add3A_56 : i32 to vector<16xi32>
      %select_n3A_346 = arith.select %eq3A_344, %broadcast_in_dim3A_345, %select_n3A_341 : vector<16xi1>, vector<16xi32>
      %eq3A_347 = arith.constant 3 : i32
      %eq3A_348 = vector.broadcast %eq3A_347 : i32 to vector<16xi32>
      %eq3A_349 = arith.cmpi eq, %iota3A, %eq3A_348 : vector<16xi32>
      %broadcast_in_dim3A_350 = vector.broadcast %add3A_57 : i32 to vector<16xi32>
      %select_n3A_351 = arith.select %eq3A_349, %broadcast_in_dim3A_350, %select_n3A_346 : vector<16xi1>, vector<16xi32>
      %eq3A_352 = arith.constant 4 : i32
      %eq3A_353 = vector.broadcast %eq3A_352 : i32 to vector<16xi32>
      %eq3A_354 = arith.cmpi eq, %iota3A, %eq3A_353 : vector<16xi32>
      %broadcast_in_dim3A_355 = vector.broadcast %add3A_58 : i32 to vector<16xi32>
      %select_n3A_356 = arith.select %eq3A_354, %broadcast_in_dim3A_355, %select_n3A_351 : vector<16xi1>, vector<16xi32>
      %eq3A_357 = arith.constant 5 : i32
      %eq3A_358 = vector.broadcast %eq3A_357 : i32 to vector<16xi32>
      %eq3A_359 = arith.cmpi eq, %iota3A, %eq3A_358 : vector<16xi32>
      %broadcast_in_dim3A_360 = vector.broadcast %add3A_59 : i32 to vector<16xi32>
      %select_n3A_361 = arith.select %eq3A_359, %broadcast_in_dim3A_360, %select_n3A_356 : vector<16xi1>, vector<16xi32>
      %eq3A_362 = arith.constant 6 : i32
      %eq3A_363 = vector.broadcast %eq3A_362 : i32 to vector<16xi32>
      %eq3A_364 = arith.cmpi eq, %iota3A, %eq3A_363 : vector<16xi32>
      %broadcast_in_dim3A_365 = vector.broadcast %add3A_60 : i32 to vector<16xi32>
      %select_n3A_366 = arith.select %eq3A_364, %broadcast_in_dim3A_365, %select_n3A_361 : vector<16xi1>, vector<16xi32>
      %eq3A_367 = arith.constant 7 : i32
      %eq3A_368 = vector.broadcast %eq3A_367 : i32 to vector<16xi32>
      %eq3A_369 = arith.cmpi eq, %iota3A, %eq3A_368 : vector<16xi32>
      %broadcast_in_dim3A_370 = vector.broadcast %add3A_61 : i32 to vector<16xi32>
      %select_n3A_371 = arith.select %eq3A_369, %broadcast_in_dim3A_370, %select_n3A_366 : vector<16xi1>, vector<16xi32>
      %eq3A_372 = arith.constant 8 : i32
      %eq3A_373 = vector.broadcast %eq3A_372 : i32 to vector<16xi32>
      %eq3A_374 = arith.cmpi eq, %iota3A, %eq3A_373 : vector<16xi32>
      %broadcast_in_dim3A_375 = vector.broadcast %add3A_62 : i32 to vector<16xi32>
      %select_n3A_376 = arith.select %eq3A_374, %broadcast_in_dim3A_375, %select_n3A_371 : vector<16xi1>, vector<16xi32>
      %swap3A_377 = arith.constant 0 : index
      %swap3A_378 = tpu.vector_load %arg13[%swap3A_377] {strides = array<i32>} : memref<64xi32, #tpu.memory_space<vmem>>, vector<16xi32>,
      tpu.vector_store %arg13[%swap3A_377], %select_n3A_376 {strides = array<i32>} : memref<64xi32, #tpu.memory_space<vmem>>, vector<16xi32>,
      "tpu.region"() ({
        %run_scoped3A = tpu.sem_alloc : memref<!tpu.dma_semaphore, #tpu.memory_space<semaphore_mem>>
        %dma_start3A_718 = arith.constant 0 : i32
        %dma_start3A_719 = tpu.memref_slice %arg13[%dma_start3A_718] : memref<64xi32, #tpu.memory_space<vmem>> -> memref<16xi32, #tpu.memory_space<vmem>>
        %dma_start3A_720 = arith.constant 0 : i32
        %dma_start3A_721 = tpu.memref_slice %arg13[%dma_start3A_720] : memref<64xi32, #tpu.memory_space<vmem>> -> memref<16xi32, #tpu.memory_space<vmem>>
        tpu.enqueue_dma source(%dma_start3A_721 : memref<16xi32, #tpu.memory_space<vmem>>) target(%arg7 : memref<16xi32, #tpu.memory_space<hbm>>) target_semaphore(%run_scoped3A : memref<!tpu.dma_semaphore, #tpu.memory_space<semaphore_mem>>)
        %dma_wait3A_722 = arith.constant 0 : i32
        %dma_wait3A_723 = tpu.memref_slice %arg13[%dma_wait3A_722] : memref<64xi32, #tpu.memory_space<vmem>> -> memref<16xi32, #tpu.memory_space<vmem>>
        %dma_wait3A_724 = arith.constant 0 : i32
        %dma_wait3A_725 = tpu.memref_slice %arg13[%dma_wait3A_724] : memref<64xi32, #tpu.memory_space<vmem>> -> memref<16xi32, #tpu.memory_space<vmem>>
        tpu.wait_dma2 semaphore(%run_scoped3A : memref<!tpu.dma_semaphore, #tpu.memory_space<semaphore_mem>>) src(%dma_wait3A_725 : memref<16xi32, #tpu.memory_space<vmem>>) dst(%arg7 : memref<16xi32, #tpu.memory_space<hbm>>)
        tpu.yield
      }) : () -> ()
      %add3A_379 = arith.constant 0 : i32
      %add3A_380 = vector.broadcast %add3A_379 : i32 to vector<16xi32>
      %add3A_381 = arith.addi %iota3A, %add3A_380 : vector<16xi32>
      %sub3A_382 = arith.constant 1 : i32
      %sub3A_383 = arith.subi %add3A_329, %sub3A_382 : i32
      %min3A = vector.broadcast %sub3A_383 : i32 to vector<16xi32>
      %min3A_384 = arith.minsi %add3A_381, %min3A : vector<16xi32>
      %broadcast_in_dim3A_385 = arith.constant 0 : i32
      %broadcast_in_dim3A_386 = vector.broadcast %broadcast_in_dim3A_385 : i32 to vector<16xi32>
      %ge3A = vector.broadcast %add3A_315 : i32 to vector<16xi32>
      %ge3A_387 = arith.cmpi sge, %min3A_384, %ge3A : vector<16xi32>
      %jit3A = arith.constant 1 : i32
      %jit3A_388 = arith.constant 0 : i32
      %broadcast_in_dim3A_389 = vector.broadcast %jit3A : i32 to vector<16xi32>
      %broadcast_in_dim3A_390 = vector.broadcast %jit3A_388 : i32 to vector<16xi32>
      %select_n3A_391 = arith.select %ge3A_387, %broadcast_in_dim3A_389, %broadcast_in_dim3A_390 : vector<16xi1>, vector<16xi32>
      %add3A_392 = arith.addi %broadcast_in_dim3A_386, %select_n3A_391 : vector<16xi32>
      %ge3A_393 = vector.broadcast %add3A_317 : i32 to vector<16xi32>
      %ge3A_394 = arith.cmpi sge, %min3A_384, %ge3A_393 : vector<16xi32>
      %jit3A_395 = arith.constant 1 : i32
      %jit3A_396 = arith.constant 0 : i32
      %broadcast_in_dim3A_397 = vector.broadcast %jit3A_395 : i32 to vector<16xi32>
      %broadcast_in_dim3A_398 = vector.broadcast %jit3A_396 : i32 to vector<16xi32>
      %select_n3A_399 = arith.select %ge3A_394, %broadcast_in_dim3A_397, %broadcast_in_dim3A_398 : vector<16xi1>, vector<16xi32>
      %add3A_400 = arith.addi %add3A_392, %select_n3A_399 : vector<16xi32>
      %ge3A_401 = vector.broadcast %add3A_319 : i32 to vector<16xi32>
      %ge3A_402 = arith.cmpi sge, %min3A_384, %ge3A_401 : vector<16xi32>
      %jit3A_403 = arith.constant 1 : i32
      %jit3A_404 = arith.constant 0 : i32
      %broadcast_in_dim3A_405 = vector.broadcast %jit3A_403 : i32 to vector<16xi32>
      %broadcast_in_dim3A_406 = vector.broadcast %jit3A_404 : i32 to vector<16xi32>
      %select_n3A_407 = arith.select %ge3A_402, %broadcast_in_dim3A_405, %broadcast_in_dim3A_406 : vector<16xi1>, vector<16xi32>
      %add3A_408 = arith.addi %add3A_400, %select_n3A_407 : vector<16xi32>
      %ge3A_409 = vector.broadcast %add3A_321 : i32 to vector<16xi32>
      %ge3A_410 = arith.cmpi sge, %min3A_384, %ge3A_409 : vector<16xi32>
      %jit3A_411 = arith.constant 1 : i32
      %jit3A_412 = arith.constant 0 : i32
      %broadcast_in_dim3A_413 = vector.broadcast %jit3A_411 : i32 to vector<16xi32>
      %broadcast_in_dim3A_414 = vector.broadcast %jit3A_412 : i32 to vector<16xi32>
      %select_n3A_415 = arith.select %ge3A_410, %broadcast_in_dim3A_413, %broadcast_in_dim3A_414 : vector<16xi1>, vector<16xi32>
      %add3A_416 = arith.addi %add3A_408, %select_n3A_415 : vector<16xi32>
      %ge3A_417 = vector.broadcast %add3A_323 : i32 to vector<16xi32>
      %ge3A_418 = arith.cmpi sge, %min3A_384, %ge3A_417 : vector<16xi32>
      %jit3A_419 = arith.constant 1 : i32
      %jit3A_420 = arith.constant 0 : i32
      %broadcast_in_dim3A_421 = vector.broadcast %jit3A_419 : i32 to vector<16xi32>
      %broadcast_in_dim3A_422 = vector.broadcast %jit3A_420 : i32 to vector<16xi32>
      %select_n3A_423 = arith.select %ge3A_418, %broadcast_in_dim3A_421, %broadcast_in_dim3A_422 : vector<16xi1>, vector<16xi32>
      %add3A_424 = arith.addi %add3A_416, %select_n3A_423 : vector<16xi32>
      %ge3A_425 = vector.broadcast %add3A_325 : i32 to vector<16xi32>
      %ge3A_426 = arith.cmpi sge, %min3A_384, %ge3A_425 : vector<16xi32>
      %jit3A_427 = arith.constant 1 : i32
      %jit3A_428 = arith.constant 0 : i32
      %broadcast_in_dim3A_429 = vector.broadcast %jit3A_427 : i32 to vector<16xi32>
      %broadcast_in_dim3A_430 = vector.broadcast %jit3A_428 : i32 to vector<16xi32>
      %select_n3A_431 = arith.select %ge3A_426, %broadcast_in_dim3A_429, %broadcast_in_dim3A_430 : vector<16xi1>, vector<16xi32>
      %add3A_432 = arith.addi %add3A_424, %select_n3A_431 : vector<16xi32>
      %ge3A_433 = vector.broadcast %add3A_327 : i32 to vector<16xi32>
      %ge3A_434 = arith.cmpi sge, %min3A_384, %ge3A_433 : vector<16xi32>
      %jit3A_435 = arith.constant 1 : i32
      %jit3A_436 = arith.constant 0 : i32
      %broadcast_in_dim3A_437 = vector.broadcast %jit3A_435 : i32 to vector<16xi32>
      %broadcast_in_dim3A_438 = vector.broadcast %jit3A_436 : i32 to vector<16xi32>
      %select_n3A_439 = arith.select %ge3A_434, %broadcast_in_dim3A_437, %broadcast_in_dim3A_438 : vector<16xi1>, vector<16xi32>
      %add3A_440 = arith.addi %add3A_432, %select_n3A_439 : vector<16xi32>
      %broadcast_in_dim3A_441 = arith.constant 0 : i32
      %broadcast_in_dim3A_442 = vector.broadcast %broadcast_in_dim3A_441 : i32 to vector<16xi32>
      %broadcast_in_dim3A_443 = arith.constant 0 : i32
      %broadcast_in_dim3A_444 = vector.broadcast %broadcast_in_dim3A_443 : i32 to vector<16xi32>
      %eq3A_445 = arith.constant 0 : i32
      %eq3A_446 = vector.broadcast %eq3A_445 : i32 to vector<16xi32>
      %eq3A_447 = arith.cmpi eq, %add3A_440, %eq3A_446 : vector<16xi32>
      %broadcast_in_dim3A_448 = vector.broadcast %shift_right_arithmetic3A_228 : i32 to vector<16xi32>
      %select_n3A_449 = arith.select %eq3A_447, %broadcast_in_dim3A_448, %broadcast_in_dim3A_442 : vector<16xi1>, vector<16xi32>
      %eq3A_450 = arith.constant 0 : i32
      %eq3A_451 = vector.broadcast %eq3A_450 : i32 to vector<16xi32>
      %eq3A_452 = arith.cmpi eq, %add3A_440, %eq3A_451 : vector<16xi32>
      %sub3A_453 = arith.subi %select_n3A, %shift_right_arithmetic3A_228 : i32
      %sub3A_454 = arith.subi %add3A_315, %sub3A_453 : i32
      %broadcast_in_dim3A_455 = vector.broadcast %sub3A_454 : i32 to vector<16xi32>
      %select_n3A_456 = arith.select %eq3A_452, %broadcast_in_dim3A_455, %broadcast_in_dim3A_444 : vector<16xi1>, vector<16xi32>
      %eq3A_457 = arith.constant 1 : i32
      %eq3A_458 = vector.broadcast %eq3A_457 : i32 to vector<16xi32>
      %eq3A_459 = arith.cmpi eq, %add3A_440, %eq3A_458 : vector<16xi32>
      %broadcast_in_dim3A_460 = vector.broadcast %shift_right_arithmetic3A_230 : i32 to vector<16xi32>
      %select_n3A_461 = arith.select %eq3A_459, %broadcast_in_dim3A_460, %select_n3A_449 : vector<16xi1>, vector<16xi32>
      %eq3A_462 = arith.constant 1 : i32
      %eq3A_463 = vector.broadcast %eq3A_462 : i32 to vector<16xi32>
      %eq3A_464 = arith.cmpi eq, %add3A_440, %eq3A_463 : vector<16xi32>
      %sub3A_465 = arith.subi %select_n3A_258, %shift_right_arithmetic3A_230 : i32
      %sub3A_466 = arith.subi %add3A_317, %sub3A_465 : i32
      %broadcast_in_dim3A_467 = vector.broadcast %sub3A_466 : i32 to vector<16xi32>
      %select_n3A_468 = arith.select %eq3A_464, %broadcast_in_dim3A_467, %select_n3A_456 : vector<16xi1>, vector<16xi32>
      %eq3A_469 = arith.constant 2 : i32
      %eq3A_470 = vector.broadcast %eq3A_469 : i32 to vector<16xi32>
      %eq3A_471 = arith.cmpi eq, %add3A_440, %eq3A_470 : vector<16xi32>
      %broadcast_in_dim3A_472 = vector.broadcast %shift_right_arithmetic3A_232 : i32 to vector<16xi32>
      %select_n3A_473 = arith.select %eq3A_471, %broadcast_in_dim3A_472, %select_n3A_461 : vector<16xi1>, vector<16xi32>
      %eq3A_474 = arith.constant 2 : i32
      %eq3A_475 = vector.broadcast %eq3A_474 : i32 to vector<16xi32>
      %eq3A_476 = arith.cmpi eq, %add3A_440, %eq3A_475 : vector<16xi32>
      %sub3A_477 = arith.subi %select_n3A_267, %shift_right_arithmetic3A_232 : i32
      %sub3A_478 = arith.subi %add3A_319, %sub3A_477 : i32
      %broadcast_in_dim3A_479 = vector.broadcast %sub3A_478 : i32 to vector<16xi32>
      %select_n3A_480 = arith.select %eq3A_476, %broadcast_in_dim3A_479, %select_n3A_468 : vector<16xi1>, vector<16xi32>
      %eq3A_481 = arith.constant 3 : i32
      %eq3A_482 = vector.broadcast %eq3A_481 : i32 to vector<16xi32>
      %eq3A_483 = arith.cmpi eq, %add3A_440, %eq3A_482 : vector<16xi32>
      %broadcast_in_dim3A_484 = vector.broadcast %shift_right_arithmetic3A_234 : i32 to vector<16xi32>
      %select_n3A_485 = arith.select %eq3A_483, %broadcast_in_dim3A_484, %select_n3A_473 : vector<16xi1>, vector<16xi32>
      %eq3A_486 = arith.constant 3 : i32
      %eq3A_487 = vector.broadcast %eq3A_486 : i32 to vector<16xi32>
      %eq3A_488 = arith.cmpi eq, %add3A_440, %eq3A_487 : vector<16xi32>
      %sub3A_489 = arith.subi %select_n3A_276, %shift_right_arithmetic3A_234 : i32
      %sub3A_490 = arith.subi %add3A_321, %sub3A_489 : i32
      %broadcast_in_dim3A_491 = vector.broadcast %sub3A_490 : i32 to vector<16xi32>
      %select_n3A_492 = arith.select %eq3A_488, %broadcast_in_dim3A_491, %select_n3A_480 : vector<16xi1>, vector<16xi32>
      %eq3A_493 = arith.constant 4 : i32
      %eq3A_494 = vector.broadcast %eq3A_493 : i32 to vector<16xi32>
      %eq3A_495 = arith.cmpi eq, %add3A_440, %eq3A_494 : vector<16xi32>
      %broadcast_in_dim3A_496 = vector.broadcast %shift_right_arithmetic3A_236 : i32 to vector<16xi32>
      %select_n3A_497 = arith.select %eq3A_495, %broadcast_in_dim3A_496, %select_n3A_485 : vector<16xi1>, vector<16xi32>
      %eq3A_498 = arith.constant 4 : i32
      %eq3A_499 = vector.broadcast %eq3A_498 : i32 to vector<16xi32>
      %eq3A_500 = arith.cmpi eq, %add3A_440, %eq3A_499 : vector<16xi32>
      %sub3A_501 = arith.subi %select_n3A_285, %shift_right_arithmetic3A_236 : i32
      %sub3A_502 = arith.subi %add3A_323, %sub3A_501 : i32
      %broadcast_in_dim3A_503 = vector.broadcast %sub3A_502 : i32 to vector<16xi32>
      %select_n3A_504 = arith.select %eq3A_500, %broadcast_in_dim3A_503, %select_n3A_492 : vector<16xi1>, vector<16xi32>
      %eq3A_505 = arith.constant 5 : i32
      %eq3A_506 = vector.broadcast %eq3A_505 : i32 to vector<16xi32>
      %eq3A_507 = arith.cmpi eq, %add3A_440, %eq3A_506 : vector<16xi32>
      %broadcast_in_dim3A_508 = vector.broadcast %shift_right_arithmetic3A_238 : i32 to vector<16xi32>
      %select_n3A_509 = arith.select %eq3A_507, %broadcast_in_dim3A_508, %select_n3A_497 : vector<16xi1>, vector<16xi32>
      %eq3A_510 = arith.constant 5 : i32
      %eq3A_511 = vector.broadcast %eq3A_510 : i32 to vector<16xi32>
      %eq3A_512 = arith.cmpi eq, %add3A_440, %eq3A_511 : vector<16xi32>
      %sub3A_513 = arith.subi %select_n3A_294, %shift_right_arithmetic3A_238 : i32
      %sub3A_514 = arith.subi %add3A_325, %sub3A_513 : i32
      %broadcast_in_dim3A_515 = vector.broadcast %sub3A_514 : i32 to vector<16xi32>
      %select_n3A_516 = arith.select %eq3A_512, %broadcast_in_dim3A_515, %select_n3A_504 : vector<16xi1>, vector<16xi32>
      %eq3A_517 = arith.constant 6 : i32
      %eq3A_518 = vector.broadcast %eq3A_517 : i32 to vector<16xi32>
      %eq3A_519 = arith.cmpi eq, %add3A_440, %eq3A_518 : vector<16xi32>
      %broadcast_in_dim3A_520 = vector.broadcast %shift_right_arithmetic3A_240 : i32 to vector<16xi32>
      %select_n3A_521 = arith.select %eq3A_519, %broadcast_in_dim3A_520, %select_n3A_509 : vector<16xi1>, vector<16xi32>
      %eq3A_522 = arith.constant 6 : i32
      %eq3A_523 = vector.broadcast %eq3A_522 : i32 to vector<16xi32>
      %eq3A_524 = arith.cmpi eq, %add3A_440, %eq3A_523 : vector<16xi32>
      %sub3A_525 = arith.subi %select_n3A_303, %shift_right_arithmetic3A_240 : i32
      %sub3A_526 = arith.subi %add3A_327, %sub3A_525 : i32
      %broadcast_in_dim3A_527 = vector.broadcast %sub3A_526 : i32 to vector<16xi32>
      %select_n3A_528 = arith.select %eq3A_524, %broadcast_in_dim3A_527, %select_n3A_516 : vector<16xi1>, vector<16xi32>
      %eq3A_529 = arith.constant 7 : i32
      %eq3A_530 = vector.broadcast %eq3A_529 : i32 to vector<16xi32>
      %eq3A_531 = arith.cmpi eq, %add3A_440, %eq3A_530 : vector<16xi32>
      %broadcast_in_dim3A_532 = vector.broadcast %shift_right_arithmetic3A_242 : i32 to vector<16xi32>
      %select_n3A_533 = arith.select %eq3A_531, %broadcast_in_dim3A_532, %select_n3A_521 : vector<16xi1>, vector<16xi32>
      %eq3A_534 = arith.constant 7 : i32
      %eq3A_535 = vector.broadcast %eq3A_534 : i32 to vector<16xi32>
      %eq3A_536 = arith.cmpi eq, %add3A_440, %eq3A_535 : vector<16xi32>
      %sub3A_537 = arith.subi %select_n3A_312, %shift_right_arithmetic3A_242 : i32
      %sub3A_538 = arith.subi %add3A_329, %sub3A_537 : i32
      %broadcast_in_dim3A_539 = vector.broadcast %sub3A_538 : i32 to vector<16xi32>
      %select_n3A_540 = arith.select %eq3A_536, %broadcast_in_dim3A_539, %select_n3A_528 : vector<16xi1>, vector<16xi32>
      %swap3A_541 = arith.constant 0 : index
      %swap3A_542 = tpu.vector_load %arg13[%swap3A_541] {strides = array<i32>} : memref<64xi32, #tpu.memory_space<vmem>>, vector<16xi32>,
      tpu.vector_store %arg13[%swap3A_541], %add3A_440 {strides = array<i32>} : memref<64xi32, #tpu.memory_space<vmem>>, vector<16xi32>,
      %sub3A_543 = arith.subi %min3A_384, %select_n3A_540 : vector<16xi32>
      %add3A_544 = arith.addi %select_n3A_533, %sub3A_543 : vector<16xi32>
      %swap3A_545 = arith.constant 32 : index
      %swap3A_546 = tpu.vector_load %arg13[%swap3A_545] {strides = array<i32>} : memref<64xi32, #tpu.memory_space<vmem>>, vector<16xi32>,
      tpu.vector_store %arg13[%swap3A_545], %add3A_544 {strides = array<i32>} : memref<64xi32, #tpu.memory_space<vmem>>, vector<16xi32>,
      %add3A_547 = arith.constant 16 : i32
      %add3A_548 = vector.broadcast %add3A_547 : i32 to vector<16xi32>
      %add3A_549 = arith.addi %iota3A, %add3A_548 : vector<16xi32>
      %sub3A_550 = arith.constant 1 : i32
      %sub3A_551 = arith.subi %add3A_329, %sub3A_550 : i32
      %min3A_552 = vector.broadcast %sub3A_551 : i32 to vector<16xi32>
      %min3A_553 = arith.minsi %add3A_549, %min3A_552 : vector<16xi32>
      %broadcast_in_dim3A_554 = arith.constant 0 : i32
      %broadcast_in_dim3A_555 = vector.broadcast %broadcast_in_dim3A_554 : i32 to vector<16xi32>
      %ge3A_556 = vector.broadcast %add3A_315 : i32 to vector<16xi32>
      %ge3A_557 = arith.cmpi sge, %min3A_553, %ge3A_556 : vector<16xi32>
      %jit3A_558 = arith.constant 1 : i32
      %jit3A_559 = arith.constant 0 : i32
      %broadcast_in_dim3A_560 = vector.broadcast %jit3A_558 : i32 to vector<16xi32>
      %broadcast_in_dim3A_561 = vector.broadcast %jit3A_559 : i32 to vector<16xi32>
      %select_n3A_562 = arith.select %ge3A_557, %broadcast_in_dim3A_560, %broadcast_in_dim3A_561 : vector<16xi1>, vector<16xi32>
      %add3A_563 = arith.addi %broadcast_in_dim3A_555, %select_n3A_562 : vector<16xi32>
      %ge3A_564 = vector.broadcast %add3A_317 : i32 to vector<16xi32>
      %ge3A_565 = arith.cmpi sge, %min3A_553, %ge3A_564 : vector<16xi32>
      %jit3A_566 = arith.constant 1 : i32
      %jit3A_567 = arith.constant 0 : i32
      %broadcast_in_dim3A_568 = vector.broadcast %jit3A_566 : i32 to vector<16xi32>
      %broadcast_in_dim3A_569 = vector.broadcast %jit3A_567 : i32 to vector<16xi32>
      %select_n3A_570 = arith.select %ge3A_565, %broadcast_in_dim3A_568, %broadcast_in_dim3A_569 : vector<16xi1>, vector<16xi32>
      %add3A_571 = arith.addi %add3A_563, %select_n3A_570 : vector<16xi32>
      %ge3A_572 = vector.broadcast %add3A_319 : i32 to vector<16xi32>
      %ge3A_573 = arith.cmpi sge, %min3A_553, %ge3A_572 : vector<16xi32>
      %jit3A_574 = arith.constant 1 : i32
      %jit3A_575 = arith.constant 0 : i32
      %broadcast_in_dim3A_576 = vector.broadcast %jit3A_574 : i32 to vector<16xi32>
      %broadcast_in_dim3A_577 = vector.broadcast %jit3A_575 : i32 to vector<16xi32>
      %select_n3A_578 = arith.select %ge3A_573, %broadcast_in_dim3A_576, %broadcast_in_dim3A_577 : vector<16xi1>, vector<16xi32>
      %add3A_579 = arith.addi %add3A_571, %select_n3A_578 : vector<16xi32>
      %ge3A_580 = vector.broadcast %add3A_321 : i32 to vector<16xi32>
      %ge3A_581 = arith.cmpi sge, %min3A_553, %ge3A_580 : vector<16xi32>
      %jit3A_582 = arith.constant 1 : i32
      %jit3A_583 = arith.constant 0 : i32
      %broadcast_in_dim3A_584 = vector.broadcast %jit3A_582 : i32 to vector<16xi32>
      %broadcast_in_dim3A_585 = vector.broadcast %jit3A_583 : i32 to vector<16xi32>
      %select_n3A_586 = arith.select %ge3A_581, %broadcast_in_dim3A_584, %broadcast_in_dim3A_585 : vector<16xi1>, vector<16xi32>
      %add3A_587 = arith.addi %add3A_579, %select_n3A_586 : vector<16xi32>
      %ge3A_588 = vector.broadcast %add3A_323 : i32 to vector<16xi32>
      %ge3A_589 = arith.cmpi sge, %min3A_553, %ge3A_588 : vector<16xi32>
      %jit3A_590 = arith.constant 1 : i32
      %jit3A_591 = arith.constant 0 : i32
      %broadcast_in_dim3A_592 = vector.broadcast %jit3A_590 : i32 to vector<16xi32>
      %broadcast_in_dim3A_593 = vector.broadcast %jit3A_591 : i32 to vector<16xi32>
      %select_n3A_594 = arith.select %ge3A_589, %broadcast_in_dim3A_592, %broadcast_in_dim3A_593 : vector<16xi1>, vector<16xi32>
      %add3A_595 = arith.addi %add3A_587, %select_n3A_594 : vector<16xi32>
      %ge3A_596 = vector.broadcast %add3A_325 : i32 to vector<16xi32>
      %ge3A_597 = arith.cmpi sge, %min3A_553, %ge3A_596 : vector<16xi32>
      %jit3A_598 = arith.constant 1 : i32
      %jit3A_599 = arith.constant 0 : i32
      %broadcast_in_dim3A_600 = vector.broadcast %jit3A_598 : i32 to vector<16xi32>
      %broadcast_in_dim3A_601 = vector.broadcast %jit3A_599 : i32 to vector<16xi32>
      %select_n3A_602 = arith.select %ge3A_597, %broadcast_in_dim3A_600, %broadcast_in_dim3A_601 : vector<16xi1>, vector<16xi32>
      %add3A_603 = arith.addi %add3A_595, %select_n3A_602 : vector<16xi32>
      %ge3A_604 = vector.broadcast %add3A_327 : i32 to vector<16xi32>
      %ge3A_605 = arith.cmpi sge, %min3A_553, %ge3A_604 : vector<16xi32>
      %jit3A_606 = arith.constant 1 : i32
      %jit3A_607 = arith.constant 0 : i32
      %broadcast_in_dim3A_608 = vector.broadcast %jit3A_606 : i32 to vector<16xi32>
      %broadcast_in_dim3A_609 = vector.broadcast %jit3A_607 : i32 to vector<16xi32>
      %select_n3A_610 = arith.select %ge3A_605, %broadcast_in_dim3A_608, %broadcast_in_dim3A_609 : vector<16xi1>, vector<16xi32>
      %add3A_611 = arith.addi %add3A_603, %select_n3A_610 : vector<16xi32>
      %broadcast_in_dim3A_612 = arith.constant 0 : i32
      %broadcast_in_dim3A_613 = vector.broadcast %broadcast_in_dim3A_612 : i32 to vector<16xi32>
      %broadcast_in_dim3A_614 = arith.constant 0 : i32
      %broadcast_in_dim3A_615 = vector.broadcast %broadcast_in_dim3A_614 : i32 to vector<16xi32>
      %eq3A_616 = arith.constant 0 : i32
      %eq3A_617 = vector.broadcast %eq3A_616 : i32 to vector<16xi32>
      %eq3A_618 = arith.cmpi eq, %add3A_611, %eq3A_617 : vector<16xi32>
      %broadcast_in_dim3A_619 = vector.broadcast %shift_right_arithmetic3A_228 : i32 to vector<16xi32>
      %select_n3A_620 = arith.select %eq3A_618, %broadcast_in_dim3A_619, %broadcast_in_dim3A_613 : vector<16xi1>, vector<16xi32>
      %eq3A_621 = arith.constant 0 : i32
      %eq3A_622 = vector.broadcast %eq3A_621 : i32 to vector<16xi32>
      %eq3A_623 = arith.cmpi eq, %add3A_611, %eq3A_622 : vector<16xi32>
      %sub3A_624 = arith.subi %select_n3A, %shift_right_arithmetic3A_228 : i32
      %sub3A_625 = arith.subi %add3A_315, %sub3A_624 : i32
      %broadcast_in_dim3A_626 = vector.broadcast %sub3A_625 : i32 to vector<16xi32>
      %select_n3A_627 = arith.select %eq3A_623, %broadcast_in_dim3A_626, %broadcast_in_dim3A_615 : vector<16xi1>, vector<16xi32>
      %eq3A_628 = arith.constant 1 : i32
      %eq3A_629 = vector.broadcast %eq3A_628 : i32 to vector<16xi32>
      %eq3A_630 = arith.cmpi eq, %add3A_611, %eq3A_629 : vector<16xi32>
      %broadcast_in_dim3A_631 = vector.broadcast %shift_right_arithmetic3A_230 : i32 to vector<16xi32>
      %select_n3A_632 = arith.select %eq3A_630, %broadcast_in_dim3A_631, %select_n3A_620 : vector<16xi1>, vector<16xi32>
      %eq3A_633 = arith.constant 1 : i32
      %eq3A_634 = vector.broadcast %eq3A_633 : i32 to vector<16xi32>
      %eq3A_635 = arith.cmpi eq, %add3A_611, %eq3A_634 : vector<16xi32>
      %sub3A_636 = arith.subi %select_n3A_258, %shift_right_arithmetic3A_230 : i32
      %sub3A_637 = arith.subi %add3A_317, %sub3A_636 : i32
      %broadcast_in_dim3A_638 = vector.broadcast %sub3A_637 : i32 to vector<16xi32>
      %select_n3A_639 = arith.select %eq3A_635, %broadcast_in_dim3A_638, %select_n3A_627 : vector<16xi1>, vector<16xi32>
      %eq3A_640 = arith.constant 2 : i32
      %eq3A_641 = vector.broadcast %eq3A_640 : i32 to vector<16xi32>
      %eq3A_642 = arith.cmpi eq, %add3A_611, %eq3A_641 : vector<16xi32>
      %broadcast_in_dim3A_643 = vector.broadcast %shift_right_arithmetic3A_232 : i32 to vector<16xi32>
      %select_n3A_644 = arith.select %eq3A_642, %broadcast_in_dim3A_643, %select_n3A_632 : vector<16xi1>, vector<16xi32>
      %eq3A_645 = arith.constant 2 : i32
      %eq3A_646 = vector.broadcast %eq3A_645 : i32 to vector<16xi32>
      %eq3A_647 = arith.cmpi eq, %add3A_611, %eq3A_646 : vector<16xi32>
      %sub3A_648 = arith.subi %select_n3A_267, %shift_right_arithmetic3A_232 : i32
      %sub3A_649 = arith.subi %add3A_319, %sub3A_648 : i32
      %broadcast_in_dim3A_650 = vector.broadcast %sub3A_649 : i32 to vector<16xi32>
      %select_n3A_651 = arith.select %eq3A_647, %broadcast_in_dim3A_650, %select_n3A_639 : vector<16xi1>, vector<16xi32>
      %eq3A_652 = arith.constant 3 : i32
      %eq3A_653 = vector.broadcast %eq3A_652 : i32 to vector<16xi32>
      %eq3A_654 = arith.cmpi eq, %add3A_611, %eq3A_653 : vector<16xi32>
      %broadcast_in_dim3A_655 = vector.broadcast %shift_right_arithmetic3A_234 : i32 to vector<16xi32>
      %select_n3A_656 = arith.select %eq3A_654, %broadcast_in_dim3A_655, %select_n3A_644 : vector<16xi1>, vector<16xi32>
      %eq3A_657 = arith.constant 3 : i32
      %eq3A_658 = vector.broadcast %eq3A_657 : i32 to vector<16xi32>
      %eq3A_659 = arith.cmpi eq, %add3A_611, %eq3A_658 : vector<16xi32>
      %sub3A_660 = arith.subi %select_n3A_276, %shift_right_arithmetic3A_234 : i32
      %sub3A_661 = arith.subi %add3A_321, %sub3A_660 : i32
      %broadcast_in_dim3A_662 = vector.broadcast %sub3A_661 : i32 to vector<16xi32>
      %select_n3A_663 = arith.select %eq3A_659, %broadcast_in_dim3A_662, %select_n3A_651 : vector<16xi1>, vector<16xi32>
      %eq3A_664 = arith.constant 4 : i32
      %eq3A_665 = vector.broadcast %eq3A_664 : i32 to vector<16xi32>
      %eq3A_666 = arith.cmpi eq, %add3A_611, %eq3A_665 : vector<16xi32>
      %broadcast_in_dim3A_667 = vector.broadcast %shift_right_arithmetic3A_236 : i32 to vector<16xi32>
      %select_n3A_668 = arith.select %eq3A_666, %broadcast_in_dim3A_667, %select_n3A_656 : vector<16xi1>, vector<16xi32>
      %eq3A_669 = arith.constant 4 : i32
      %eq3A_670 = vector.broadcast %eq3A_669 : i32 to vector<16xi32>
      %eq3A_671 = arith.cmpi eq, %add3A_611, %eq3A_670 : vector<16xi32>
      %sub3A_672 = arith.subi %select_n3A_285, %shift_right_arithmetic3A_236 : i32
      %sub3A_673 = arith.subi %add3A_323, %sub3A_672 : i32
      %broadcast_in_dim3A_674 = vector.broadcast %sub3A_673 : i32 to vector<16xi32>
      %select_n3A_675 = arith.select %eq3A_671, %broadcast_in_dim3A_674, %select_n3A_663 : vector<16xi1>, vector<16xi32>
      %eq3A_676 = arith.constant 5 : i32
      %eq3A_677 = vector.broadcast %eq3A_676 : i32 to vector<16xi32>
      %eq3A_678 = arith.cmpi eq, %add3A_611, %eq3A_677 : vector<16xi32>
      %broadcast_in_dim3A_679 = vector.broadcast %shift_right_arithmetic3A_238 : i32 to vector<16xi32>
      %select_n3A_680 = arith.select %eq3A_678, %broadcast_in_dim3A_679, %select_n3A_668 : vector<16xi1>, vector<16xi32>
      %eq3A_681 = arith.constant 5 : i32
      %eq3A_682 = vector.broadcast %eq3A_681 : i32 to vector<16xi32>
      %eq3A_683 = arith.cmpi eq, %add3A_611, %eq3A_682 : vector<16xi32>
      %sub3A_684 = arith.subi %select_n3A_294, %shift_right_arithmetic3A_238 : i32
      %sub3A_685 = arith.subi %add3A_325, %sub3A_684 : i32
      %broadcast_in_dim3A_686 = vector.broadcast %sub3A_685 : i32 to vector<16xi32>
      %select_n3A_687 = arith.select %eq3A_683, %broadcast_in_dim3A_686, %select_n3A_675 : vector<16xi1>, vector<16xi32>
      %eq3A_688 = arith.constant 6 : i32
      %eq3A_689 = vector.broadcast %eq3A_688 : i32 to vector<16xi32>
      %eq3A_690 = arith.cmpi eq, %add3A_611, %eq3A_689 : vector<16xi32>
      %broadcast_in_dim3A_691 = vector.broadcast %shift_right_arithmetic3A_240 : i32 to vector<16xi32>
      %select_n3A_692 = arith.select %eq3A_690, %broadcast_in_dim3A_691, %select_n3A_680 : vector<16xi1>, vector<16xi32>
      %eq3A_693 = arith.constant 6 : i32
      %eq3A_694 = vector.broadcast %eq3A_693 : i32 to vector<16xi32>
      %eq3A_695 = arith.cmpi eq, %add3A_611, %eq3A_694 : vector<16xi32>
      %sub3A_696 = arith.subi %select_n3A_303, %shift_right_arithmetic3A_240 : i32
      %sub3A_697 = arith.subi %add3A_327, %sub3A_696 : i32
      %broadcast_in_dim3A_698 = vector.broadcast %sub3A_697 : i32 to vector<16xi32>
      %select_n3A_699 = arith.select %eq3A_695, %broadcast_in_dim3A_698, %select_n3A_687 : vector<16xi1>, vector<16xi32>
      %eq3A_700 = arith.constant 7 : i32
      %eq3A_701 = vector.broadcast %eq3A_700 : i32 to vector<16xi32>
      %eq3A_702 = arith.cmpi eq, %add3A_611, %eq3A_701 : vector<16xi32>
      %broadcast_in_dim3A_703 = vector.broadcast %shift_right_arithmetic3A_242 : i32 to vector<16xi32>
      %select_n3A_704 = arith.select %eq3A_702, %broadcast_in_dim3A_703, %select_n3A_692 : vector<16xi1>, vector<16xi32>
      %eq3A_705 = arith.constant 7 : i32
      %eq3A_706 = vector.broadcast %eq3A_705 : i32 to vector<16xi32>
      %eq3A_707 = arith.cmpi eq, %add3A_611, %eq3A_706 : vector<16xi32>
      %sub3A_708 = arith.subi %select_n3A_312, %shift_right_arithmetic3A_242 : i32
      %sub3A_709 = arith.subi %add3A_329, %sub3A_708 : i32
      %broadcast_in_dim3A_710 = vector.broadcast %sub3A_709 : i32 to vector<16xi32>
      %select_n3A_711 = arith.select %eq3A_707, %broadcast_in_dim3A_710, %select_n3A_699 : vector<16xi1>, vector<16xi32>
      %swap3A_712 = arith.constant 16 : index
      %swap3A_713 = tpu.vector_load %arg13[%swap3A_712] {strides = array<i32>} : memref<64xi32, #tpu.memory_space<vmem>>, vector<16xi32>,
      tpu.vector_store %arg13[%swap3A_712], %add3A_611 {strides = array<i32>} : memref<64xi32, #tpu.memory_space<vmem>>, vector<16xi32>,
      %sub3A_714 = arith.subi %min3A_553, %select_n3A_711 : vector<16xi32>
      %add3A_715 = arith.addi %select_n3A_704, %sub3A_714 : vector<16xi32>
      %swap3A_716 = arith.constant 48 : index
      %swap3A_717 = tpu.vector_load %arg13[%swap3A_716] {strides = array<i32>} : memref<64xi32, #tpu.memory_space<vmem>>, vector<16xi32>,
      tpu.vector_store %arg13[%swap3A_716], %add3A_715 {strides = array<i32>} : memref<64xi32, #tpu.memory_space<vmem>>, vector<16xi32>,
      "tpu.region"() ({
        %run_scoped3A = tpu.sem_alloc : memref<!tpu.dma_semaphore, #tpu.memory_space<semaphore_mem>>
        %dma_start3A_718 = arith.constant 0 : i32
        %dma_start3A_719 = tpu.memref_slice %arg13[%dma_start3A_718] : memref<64xi32, #tpu.memory_space<vmem>> -> memref<32xi32, #tpu.memory_space<vmem>>
        %dma_start3A_720 = arith.constant 0 : i32
        %dma_start3A_721 = tpu.memref_slice %arg13[%dma_start3A_720] : memref<64xi32, #tpu.memory_space<vmem>> -> memref<32xi32, #tpu.memory_space<vmem>>
        tpu.enqueue_dma source(%dma_start3A_721 : memref<32xi32, #tpu.memory_space<vmem>>) target(%arg5 : memref<32xi32, #tpu.memory_space<hbm>>) target_semaphore(%run_scoped3A : memref<!tpu.dma_semaphore, #tpu.memory_space<semaphore_mem>>)
        %dma_wait3A_722 = arith.constant 0 : i32
        %dma_wait3A_723 = tpu.memref_slice %arg13[%dma_wait3A_722] : memref<64xi32, #tpu.memory_space<vmem>> -> memref<32xi32, #tpu.memory_space<vmem>>
        %dma_wait3A_724 = arith.constant 0 : i32
        %dma_wait3A_725 = tpu.memref_slice %arg13[%dma_wait3A_724] : memref<64xi32, #tpu.memory_space<vmem>> -> memref<32xi32, #tpu.memory_space<vmem>>
        tpu.wait_dma2 semaphore(%run_scoped3A : memref<!tpu.dma_semaphore, #tpu.memory_space<semaphore_mem>>) src(%dma_wait3A_725 : memref<32xi32, #tpu.memory_space<vmem>>) dst(%arg5 : memref<32xi32, #tpu.memory_space<hbm>>)
        tpu.yield
      }) : () -> ()
      "tpu.region"() ({
        %run_scoped3A = tpu.sem_alloc : memref<!tpu.dma_semaphore, #tpu.memory_space<semaphore_mem>>
        %dma_start3A_718 = arith.constant 32 : i32
        %dma_start3A_719 = tpu.memref_slice %arg13[%dma_start3A_718] : memref<64xi32, #tpu.memory_space<vmem>> -> memref<32xi32, #tpu.memory_space<vmem>>
        %dma_start3A_720 = arith.constant 32 : i32
        %dma_start3A_721 = tpu.memref_slice %arg13[%dma_start3A_720] : memref<64xi32, #tpu.memory_space<vmem>> -> memref<32xi32, #tpu.memory_space<vmem>>
        tpu.enqueue_dma source(%dma_start3A_721 : memref<32xi32, #tpu.memory_space<vmem>>) target(%arg6 : memref<32xi32, #tpu.memory_space<hbm>>) target_semaphore(%run_scoped3A : memref<!tpu.dma_semaphore, #tpu.memory_space<semaphore_mem>>)
        %dma_wait3A_722 = arith.constant 32 : i32
        %dma_wait3A_723 = tpu.memref_slice %arg13[%dma_wait3A_722] : memref<64xi32, #tpu.memory_space<vmem>> -> memref<32xi32, #tpu.memory_space<vmem>>
        %dma_wait3A_724 = arith.constant 32 : i32
        %dma_wait3A_725 = tpu.memref_slice %arg13[%dma_wait3A_724] : memref<64xi32, #tpu.memory_space<vmem>> -> memref<32xi32, #tpu.memory_space<vmem>>
        tpu.wait_dma2 semaphore(%run_scoped3A : memref<!tpu.dma_semaphore, #tpu.memory_space<semaphore_mem>>) src(%dma_wait3A_725 : memref<32xi32, #tpu.memory_space<vmem>>) dst(%arg6 : memref<32xi32, #tpu.memory_space<hbm>>)
        tpu.yield
      }) : () -> ()
    } else {
    }
    %gt3A = arith.cmpi sgt, %add3A_55, %mul3A_2 : i32
    %add3A_66 = arith.constant 128 : i32
    %add3A_67 = arith.addi %mul3A_2, %add3A_66 : i32
    %lt3A = arith.constant 0 : i32
    %lt3A_68 = arith.cmpi slt, %lt3A, %add3A_67 : i32
    %and3A = arith.andi %gt3A, %lt3A_68 : i1
    %convert_element_type3A_69 = arith.extui %and3A : i1 to i32
    %cond3A_70 = arith.constant 0 : i32
    %cond3A_71 = arith.constant 0 : i32
    %cond3A_72 = arith.cmpi ne, %convert_element_type3A_69, %cond3A_71 : i32
    scf.if %cond3A_72 {
      %add3A_228 = arith.constant 128 : i32
      %add3A_229 = arith.addi %mul3A_2, %add3A_228 : i32
      %min3A = arith.minsi %add3A_55, %add3A_229 : i32
      %sub3A = arith.subi %min3A, %cond3A_70 : i32
      %while3A = arith.constant 0 : i32
      %while3A_230 = arith.constant 0 : i32
      %while3A_231:2 = scf.while (%while3A_232 = %while3A, %while3A_233 = %while3A_230) : (i32, i32) -> (i32, i32) {
        %lt3A_234 = arith.constant 256 : i32
        %lt3A_235 = arith.cmpi slt, %while3A_232, %lt3A_234 : i32
        %lt3A_236 = arith.cmpi slt, %while3A_233, %sub3A : i32
        %and3A_237 = arith.andi %lt3A_235, %lt3A_236 : i1
        scf.condition(%and3A_237) %while3A_232, %while3A_233 : i32, i32
      } do {
      ^bb0(%while3A_232: i32, %while3A_233: i32):
        %mul3A_234 = arith.constant 16 : i32
        %mul3A_235 = arith.muli %while3A_232, %mul3A_234 : i32
        %get3A_236 = arith.index_cast %mul3A_235 : i32 to index
        %get3A_237 = tpu.vector_load %arg8[%get3A_236] {strides = array<i32>} : memref<4096xi32, #tpu.memory_space<vmem>>, vector<16xi32>,
        %eq3A_238 = arith.constant 0 : i32
        %eq3A_239 = vector.broadcast %eq3A_238 : i32 to vector<16xi32>
        %eq3A_240 = arith.cmpi eq, %get3A_237, %eq3A_239 : vector<16xi32>
        %jit3A = arith.constant 1 : i32
        %jit3A_241 = arith.constant 0 : i32
        %broadcast_in_dim3A_242 = vector.broadcast %jit3A : i32 to vector<16xi32>
        %broadcast_in_dim3A_243 = vector.broadcast %jit3A_241 : i32 to vector<16xi32>
        %select_n3A = arith.select %eq3A_240, %broadcast_in_dim3A_242, %broadcast_in_dim3A_243 : vector<16xi1>, vector<16xi32>
        %broadcast_in_dim3A_244 = arith.constant true
        %broadcast_in_dim3A_245 = vector.broadcast %broadcast_in_dim3A_244 : i1 to vector<16xi1>
        %masked_cumsum3A = tpu.scan <sum>, %select_n3A masked %broadcast_in_dim3A_245 : vector<16xi32>, vector<16xi1> -> vector<16xi32>
        %add3A_246 = arith.addi %cond3A_70, %while3A_233 : i32
        %add3A_247 = vector.broadcast %add3A_246 : i32 to vector<16xi32>
        %add3A_248 = arith.addi %add3A_247, %masked_cumsum3A : vector<16xi32>
        %sub3A_249 = arith.constant 1 : i32
        %sub3A_250 = vector.broadcast %sub3A_249 : i32 to vector<16xi32>
        %sub3A_251 = arith.subi %add3A_248, %sub3A_250 : vector<16xi32>
        %ge3A = vector.broadcast %mul3A_2 : i32 to vector<16xi32>
        %ge3A_252 = arith.cmpi sge, %sub3A_251, %ge3A : vector<16xi32>
        %and3A_253 = arith.andi %eq3A_240, %ge3A_252 : vector<16xi1>
        %add3A_254 = arith.constant 128 : i32
        %add3A_255 = arith.addi %mul3A_2, %add3A_254 : i32
        %lt3A_256 = vector.broadcast %add3A_255 : i32 to vector<16xi32>
        %lt3A_257 = arith.cmpi slt, %sub3A_251, %lt3A_256 : vector<16xi32>
        %and3A_258 = arith.andi %and3A_253, %lt3A_257 : vector<16xi1>
        %sub3A_259 = vector.broadcast %mul3A_2 : i32 to vector<16xi32>
        %sub3A_260 = arith.subi %sub3A_251, %sub3A_259 : vector<16xi32>
        %mul3A_261 = arith.constant 16 : i32
        %mul3A_262 = arith.muli %while3A_232, %mul3A_261 : i32
        %add3A_263 = vector.broadcast %mul3A_262 : i32 to vector<16xi32>
        %add3A_264 = arith.addi %iota3A, %add3A_263 : vector<16xi32>
        tpu.vector_store_idx %arg9[%sub3A_260], %add3A_264 masked %and3A_258 : memref<128xi32, #tpu.memory_space<vmem>>[vector<16xi32>], vector<16xi32>, vector<16xi1>
        %add3A_265 = arith.constant 1 : i32
        %add3A_266 = arith.addi %while3A_232, %add3A_265 : i32
        %reduce_sum3A_267 = arith.constant true
        %reduce_sum3A_268 = vector.broadcast %reduce_sum3A_267 : i1 to vector<16xi1>
        %reduce_sum3A_269 = tpu.scan <sum>, %select_n3A masked %reduce_sum3A_268 : vector<16xi32>, vector<16xi1> -> vector<16xi32>
        %reduce_sum3A_270 = vector.extract %reduce_sum3A_269[15] : i32 from vector<16xi32>
        %add3A_271 = arith.addi %while3A_233, %reduce_sum3A_270 : i32
        scf.yield %add3A_266, %add3A_271 : i32, i32
      }
    } else {
    }
    %gt3A_73 = arith.cmpi sgt, %add3A_56, %mul3A_2 : i32
    %add3A_74 = arith.constant 128 : i32
    %add3A_75 = arith.addi %mul3A_2, %add3A_74 : i32
    %lt3A_76 = arith.cmpi slt, %add3A_55, %add3A_75 : i32
    %and3A_77 = arith.andi %gt3A_73, %lt3A_76 : i1
    %convert_element_type3A_78 = arith.extui %and3A_77 : i1 to i32
    %cond3A_79 = arith.constant 0 : i32
    %cond3A_80 = arith.cmpi ne, %convert_element_type3A_78, %cond3A_79 : i32
    scf.if %cond3A_80 {
      %add3A_228 = arith.constant 128 : i32
      %add3A_229 = arith.addi %mul3A_2, %add3A_228 : i32
      %min3A = arith.minsi %add3A_56, %add3A_229 : i32
      %sub3A = arith.subi %min3A, %add3A_55 : i32
      %while3A = arith.constant 0 : i32
      %while3A_230 = arith.constant 0 : i32
      %while3A_231:2 = scf.while (%while3A_232 = %while3A, %while3A_233 = %while3A_230) : (i32, i32) -> (i32, i32) {
        %lt3A_234 = arith.constant 256 : i32
        %lt3A_235 = arith.cmpi slt, %while3A_232, %lt3A_234 : i32
        %lt3A_236 = arith.cmpi slt, %while3A_233, %sub3A : i32
        %and3A_237 = arith.andi %lt3A_235, %lt3A_236 : i1
        scf.condition(%and3A_237) %while3A_232, %while3A_233 : i32, i32
      } do {
      ^bb0(%while3A_232: i32, %while3A_233: i32):
        %mul3A_234 = arith.constant 16 : i32
        %mul3A_235 = arith.muli %while3A_232, %mul3A_234 : i32
        %get3A_236 = arith.index_cast %mul3A_235 : i32 to index
        %get3A_237 = tpu.vector_load %arg8[%get3A_236] {strides = array<i32>} : memref<4096xi32, #tpu.memory_space<vmem>>, vector<16xi32>,
        %eq3A_238 = arith.constant 1 : i32
        %eq3A_239 = vector.broadcast %eq3A_238 : i32 to vector<16xi32>
        %eq3A_240 = arith.cmpi eq, %get3A_237, %eq3A_239 : vector<16xi32>
        %jit3A = arith.constant 1 : i32
        %jit3A_241 = arith.constant 0 : i32
        %broadcast_in_dim3A_242 = vector.broadcast %jit3A : i32 to vector<16xi32>
        %broadcast_in_dim3A_243 = vector.broadcast %jit3A_241 : i32 to vector<16xi32>
        %select_n3A = arith.select %eq3A_240, %broadcast_in_dim3A_242, %broadcast_in_dim3A_243 : vector<16xi1>, vector<16xi32>
        %broadcast_in_dim3A_244 = arith.constant true
        %broadcast_in_dim3A_245 = vector.broadcast %broadcast_in_dim3A_244 : i1 to vector<16xi1>
        %masked_cumsum3A = tpu.scan <sum>, %select_n3A masked %broadcast_in_dim3A_245 : vector<16xi32>, vector<16xi1> -> vector<16xi32>
        %add3A_246 = arith.addi %add3A_55, %while3A_233 : i32
        %add3A_247 = vector.broadcast %add3A_246 : i32 to vector<16xi32>
        %add3A_248 = arith.addi %add3A_247, %masked_cumsum3A : vector<16xi32>
        %sub3A_249 = arith.constant 1 : i32
        %sub3A_250 = vector.broadcast %sub3A_249 : i32 to vector<16xi32>
        %sub3A_251 = arith.subi %add3A_248, %sub3A_250 : vector<16xi32>
        %ge3A = vector.broadcast %mul3A_2 : i32 to vector<16xi32>
        %ge3A_252 = arith.cmpi sge, %sub3A_251, %ge3A : vector<16xi32>
        %and3A_253 = arith.andi %eq3A_240, %ge3A_252 : vector<16xi1>
        %add3A_254 = arith.constant 128 : i32
        %add3A_255 = arith.addi %mul3A_2, %add3A_254 : i32
        %lt3A_256 = vector.broadcast %add3A_255 : i32 to vector<16xi32>
        %lt3A_257 = arith.cmpi slt, %sub3A_251, %lt3A_256 : vector<16xi32>
        %and3A_258 = arith.andi %and3A_253, %lt3A_257 : vector<16xi1>
        %sub3A_259 = vector.broadcast %mul3A_2 : i32 to vector<16xi32>
        %sub3A_260 = arith.subi %sub3A_251, %sub3A_259 : vector<16xi32>
        %mul3A_261 = arith.constant 16 : i32
        %mul3A_262 = arith.muli %while3A_232, %mul3A_261 : i32
        %add3A_263 = vector.broadcast %mul3A_262 : i32 to vector<16xi32>
        %add3A_264 = arith.addi %iota3A, %add3A_263 : vector<16xi32>
        tpu.vector_store_idx %arg9[%sub3A_260], %add3A_264 masked %and3A_258 : memref<128xi32, #tpu.memory_space<vmem>>[vector<16xi32>], vector<16xi32>, vector<16xi1>
        %add3A_265 = arith.constant 1 : i32
        %add3A_266 = arith.addi %while3A_232, %add3A_265 : i32
        %reduce_sum3A_267 = arith.constant true
        %reduce_sum3A_268 = vector.broadcast %reduce_sum3A_267 : i1 to vector<16xi1>
        %reduce_sum3A_269 = tpu.scan <sum>, %select_n3A masked %reduce_sum3A_268 : vector<16xi32>, vector<16xi1> -> vector<16xi32>
        %reduce_sum3A_270 = vector.extract %reduce_sum3A_269[15] : i32 from vector<16xi32>
        %add3A_271 = arith.addi %while3A_233, %reduce_sum3A_270 : i32
        scf.yield %add3A_266, %add3A_271 : i32, i32
      }
    } else {
    }
    %gt3A_81 = arith.cmpi sgt, %add3A_57, %mul3A_2 : i32
    %add3A_82 = arith.constant 128 : i32
    %add3A_83 = arith.addi %mul3A_2, %add3A_82 : i32
    %lt3A_84 = arith.cmpi slt, %add3A_56, %add3A_83 : i32
    %and3A_85 = arith.andi %gt3A_81, %lt3A_84 : i1
    %convert_element_type3A_86 = arith.extui %and3A_85 : i1 to i32
    %cond3A_87 = arith.constant 0 : i32
    %cond3A_88 = arith.cmpi ne, %convert_element_type3A_86, %cond3A_87 : i32
    scf.if %cond3A_88 {
      %add3A_228 = arith.constant 128 : i32
      %add3A_229 = arith.addi %mul3A_2, %add3A_228 : i32
      %min3A = arith.minsi %add3A_57, %add3A_229 : i32
      %sub3A = arith.subi %min3A, %add3A_56 : i32
      %while3A = arith.constant 0 : i32
      %while3A_230 = arith.constant 0 : i32
      %while3A_231:2 = scf.while (%while3A_232 = %while3A, %while3A_233 = %while3A_230) : (i32, i32) -> (i32, i32) {
        %lt3A_234 = arith.constant 256 : i32
        %lt3A_235 = arith.cmpi slt, %while3A_232, %lt3A_234 : i32
        %lt3A_236 = arith.cmpi slt, %while3A_233, %sub3A : i32
        %and3A_237 = arith.andi %lt3A_235, %lt3A_236 : i1
        scf.condition(%and3A_237) %while3A_232, %while3A_233 : i32, i32
      } do {
      ^bb0(%while3A_232: i32, %while3A_233: i32):
        %mul3A_234 = arith.constant 16 : i32
        %mul3A_235 = arith.muli %while3A_232, %mul3A_234 : i32
        %get3A_236 = arith.index_cast %mul3A_235 : i32 to index
        %get3A_237 = tpu.vector_load %arg8[%get3A_236] {strides = array<i32>} : memref<4096xi32, #tpu.memory_space<vmem>>, vector<16xi32>,
        %eq3A_238 = arith.constant 2 : i32
        %eq3A_239 = vector.broadcast %eq3A_238 : i32 to vector<16xi32>
        %eq3A_240 = arith.cmpi eq, %get3A_237, %eq3A_239 : vector<16xi32>
        %jit3A = arith.constant 1 : i32
        %jit3A_241 = arith.constant 0 : i32
        %broadcast_in_dim3A_242 = vector.broadcast %jit3A : i32 to vector<16xi32>
        %broadcast_in_dim3A_243 = vector.broadcast %jit3A_241 : i32 to vector<16xi32>
        %select_n3A = arith.select %eq3A_240, %broadcast_in_dim3A_242, %broadcast_in_dim3A_243 : vector<16xi1>, vector<16xi32>
        %broadcast_in_dim3A_244 = arith.constant true
        %broadcast_in_dim3A_245 = vector.broadcast %broadcast_in_dim3A_244 : i1 to vector<16xi1>
        %masked_cumsum3A = tpu.scan <sum>, %select_n3A masked %broadcast_in_dim3A_245 : vector<16xi32>, vector<16xi1> -> vector<16xi32>
        %add3A_246 = arith.addi %add3A_56, %while3A_233 : i32
        %add3A_247 = vector.broadcast %add3A_246 : i32 to vector<16xi32>
        %add3A_248 = arith.addi %add3A_247, %masked_cumsum3A : vector<16xi32>
        %sub3A_249 = arith.constant 1 : i32
        %sub3A_250 = vector.broadcast %sub3A_249 : i32 to vector<16xi32>
        %sub3A_251 = arith.subi %add3A_248, %sub3A_250 : vector<16xi32>
        %ge3A = vector.broadcast %mul3A_2 : i32 to vector<16xi32>
        %ge3A_252 = arith.cmpi sge, %sub3A_251, %ge3A : vector<16xi32>
        %and3A_253 = arith.andi %eq3A_240, %ge3A_252 : vector<16xi1>
        %add3A_254 = arith.constant 128 : i32
        %add3A_255 = arith.addi %mul3A_2, %add3A_254 : i32
        %lt3A_256 = vector.broadcast %add3A_255 : i32 to vector<16xi32>
        %lt3A_257 = arith.cmpi slt, %sub3A_251, %lt3A_256 : vector<16xi32>
        %and3A_258 = arith.andi %and3A_253, %lt3A_257 : vector<16xi1>
        %sub3A_259 = vector.broadcast %mul3A_2 : i32 to vector<16xi32>
        %sub3A_260 = arith.subi %sub3A_251, %sub3A_259 : vector<16xi32>
        %mul3A_261 = arith.constant 16 : i32
        %mul3A_262 = arith.muli %while3A_232, %mul3A_261 : i32
        %add3A_263 = vector.broadcast %mul3A_262 : i32 to vector<16xi32>
        %add3A_264 = arith.addi %iota3A, %add3A_263 : vector<16xi32>
        tpu.vector_store_idx %arg9[%sub3A_260], %add3A_264 masked %and3A_258 : memref<128xi32, #tpu.memory_space<vmem>>[vector<16xi32>], vector<16xi32>, vector<16xi1>
        %add3A_265 = arith.constant 1 : i32
        %add3A_266 = arith.addi %while3A_232, %add3A_265 : i32
        %reduce_sum3A_267 = arith.constant true
        %reduce_sum3A_268 = vector.broadcast %reduce_sum3A_267 : i1 to vector<16xi1>
        %reduce_sum3A_269 = tpu.scan <sum>, %select_n3A masked %reduce_sum3A_268 : vector<16xi32>, vector<16xi1> -> vector<16xi32>
        %reduce_sum3A_270 = vector.extract %reduce_sum3A_269[15] : i32 from vector<16xi32>
        %add3A_271 = arith.addi %while3A_233, %reduce_sum3A_270 : i32
        scf.yield %add3A_266, %add3A_271 : i32, i32
      }
    } else {
    }
    %gt3A_89 = arith.cmpi sgt, %add3A_58, %mul3A_2 : i32
    %add3A_90 = arith.constant 128 : i32
    %add3A_91 = arith.addi %mul3A_2, %add3A_90 : i32
    %lt3A_92 = arith.cmpi slt, %add3A_57, %add3A_91 : i32
    %and3A_93 = arith.andi %gt3A_89, %lt3A_92 : i1
    %convert_element_type3A_94 = arith.extui %and3A_93 : i1 to i32
    %cond3A_95 = arith.constant 0 : i32
    %cond3A_96 = arith.cmpi ne, %convert_element_type3A_94, %cond3A_95 : i32
    scf.if %cond3A_96 {
      %add3A_228 = arith.constant 128 : i32
      %add3A_229 = arith.addi %mul3A_2, %add3A_228 : i32
      %min3A = arith.minsi %add3A_58, %add3A_229 : i32
      %sub3A = arith.subi %min3A, %add3A_57 : i32
      %while3A = arith.constant 0 : i32
      %while3A_230 = arith.constant 0 : i32
      %while3A_231:2 = scf.while (%while3A_232 = %while3A, %while3A_233 = %while3A_230) : (i32, i32) -> (i32, i32) {
        %lt3A_234 = arith.constant 256 : i32
        %lt3A_235 = arith.cmpi slt, %while3A_232, %lt3A_234 : i32
        %lt3A_236 = arith.cmpi slt, %while3A_233, %sub3A : i32
        %and3A_237 = arith.andi %lt3A_235, %lt3A_236 : i1
        scf.condition(%and3A_237) %while3A_232, %while3A_233 : i32, i32
      } do {
      ^bb0(%while3A_232: i32, %while3A_233: i32):
        %mul3A_234 = arith.constant 16 : i32
        %mul3A_235 = arith.muli %while3A_232, %mul3A_234 : i32
        %get3A_236 = arith.index_cast %mul3A_235 : i32 to index
        %get3A_237 = tpu.vector_load %arg8[%get3A_236] {strides = array<i32>} : memref<4096xi32, #tpu.memory_space<vmem>>, vector<16xi32>,
        %eq3A_238 = arith.constant 3 : i32
        %eq3A_239 = vector.broadcast %eq3A_238 : i32 to vector<16xi32>
        %eq3A_240 = arith.cmpi eq, %get3A_237, %eq3A_239 : vector<16xi32>
        %jit3A = arith.constant 1 : i32
        %jit3A_241 = arith.constant 0 : i32
        %broadcast_in_dim3A_242 = vector.broadcast %jit3A : i32 to vector<16xi32>
        %broadcast_in_dim3A_243 = vector.broadcast %jit3A_241 : i32 to vector<16xi32>
        %select_n3A = arith.select %eq3A_240, %broadcast_in_dim3A_242, %broadcast_in_dim3A_243 : vector<16xi1>, vector<16xi32>
        %broadcast_in_dim3A_244 = arith.constant true
        %broadcast_in_dim3A_245 = vector.broadcast %broadcast_in_dim3A_244 : i1 to vector<16xi1>
        %masked_cumsum3A = tpu.scan <sum>, %select_n3A masked %broadcast_in_dim3A_245 : vector<16xi32>, vector<16xi1> -> vector<16xi32>
        %add3A_246 = arith.addi %add3A_57, %while3A_233 : i32
        %add3A_247 = vector.broadcast %add3A_246 : i32 to vector<16xi32>
        %add3A_248 = arith.addi %add3A_247, %masked_cumsum3A : vector<16xi32>
        %sub3A_249 = arith.constant 1 : i32
        %sub3A_250 = vector.broadcast %sub3A_249 : i32 to vector<16xi32>
        %sub3A_251 = arith.subi %add3A_248, %sub3A_250 : vector<16xi32>
        %ge3A = vector.broadcast %mul3A_2 : i32 to vector<16xi32>
        %ge3A_252 = arith.cmpi sge, %sub3A_251, %ge3A : vector<16xi32>
        %and3A_253 = arith.andi %eq3A_240, %ge3A_252 : vector<16xi1>
        %add3A_254 = arith.constant 128 : i32
        %add3A_255 = arith.addi %mul3A_2, %add3A_254 : i32
        %lt3A_256 = vector.broadcast %add3A_255 : i32 to vector<16xi32>
        %lt3A_257 = arith.cmpi slt, %sub3A_251, %lt3A_256 : vector<16xi32>
        %and3A_258 = arith.andi %and3A_253, %lt3A_257 : vector<16xi1>
        %sub3A_259 = vector.broadcast %mul3A_2 : i32 to vector<16xi32>
        %sub3A_260 = arith.subi %sub3A_251, %sub3A_259 : vector<16xi32>
        %mul3A_261 = arith.constant 16 : i32
        %mul3A_262 = arith.muli %while3A_232, %mul3A_261 : i32
        %add3A_263 = vector.broadcast %mul3A_262 : i32 to vector<16xi32>
        %add3A_264 = arith.addi %iota3A, %add3A_263 : vector<16xi32>
        tpu.vector_store_idx %arg9[%sub3A_260], %add3A_264 masked %and3A_258 : memref<128xi32, #tpu.memory_space<vmem>>[vector<16xi32>], vector<16xi32>, vector<16xi1>
        %add3A_265 = arith.constant 1 : i32
        %add3A_266 = arith.addi %while3A_232, %add3A_265 : i32
        %reduce_sum3A_267 = arith.constant true
        %reduce_sum3A_268 = vector.broadcast %reduce_sum3A_267 : i1 to vector<16xi1>
        %reduce_sum3A_269 = tpu.scan <sum>, %select_n3A masked %reduce_sum3A_268 : vector<16xi32>, vector<16xi1> -> vector<16xi32>
        %reduce_sum3A_270 = vector.extract %reduce_sum3A_269[15] : i32 from vector<16xi32>
        %add3A_271 = arith.addi %while3A_233, %reduce_sum3A_270 : i32
        scf.yield %add3A_266, %add3A_271 : i32, i32
      }
    } else {
    }
    %gt3A_97 = arith.cmpi sgt, %add3A_59, %mul3A_2 : i32
    %add3A_98 = arith.constant 128 : i32
    %add3A_99 = arith.addi %mul3A_2, %add3A_98 : i32
    %lt3A_100 = arith.cmpi slt, %add3A_58, %add3A_99 : i32
    %and3A_101 = arith.andi %gt3A_97, %lt3A_100 : i1
    %convert_element_type3A_102 = arith.extui %and3A_101 : i1 to i32
    %cond3A_103 = arith.constant 0 : i32
    %cond3A_104 = arith.cmpi ne, %convert_element_type3A_102, %cond3A_103 : i32
    scf.if %cond3A_104 {
      %add3A_228 = arith.constant 128 : i32
      %add3A_229 = arith.addi %mul3A_2, %add3A_228 : i32
      %min3A = arith.minsi %add3A_59, %add3A_229 : i32
      %sub3A = arith.subi %min3A, %add3A_58 : i32
      %while3A = arith.constant 0 : i32
      %while3A_230 = arith.constant 0 : i32
      %while3A_231:2 = scf.while (%while3A_232 = %while3A, %while3A_233 = %while3A_230) : (i32, i32) -> (i32, i32) {
        %lt3A_234 = arith.constant 256 : i32
        %lt3A_235 = arith.cmpi slt, %while3A_232, %lt3A_234 : i32
        %lt3A_236 = arith.cmpi slt, %while3A_233, %sub3A : i32
        %and3A_237 = arith.andi %lt3A_235, %lt3A_236 : i1
        scf.condition(%and3A_237) %while3A_232, %while3A_233 : i32, i32
      } do {
      ^bb0(%while3A_232: i32, %while3A_233: i32):
        %mul3A_234 = arith.constant 16 : i32
        %mul3A_235 = arith.muli %while3A_232, %mul3A_234 : i32
        %get3A_236 = arith.index_cast %mul3A_235 : i32 to index
        %get3A_237 = tpu.vector_load %arg8[%get3A_236] {strides = array<i32>} : memref<4096xi32, #tpu.memory_space<vmem>>, vector<16xi32>,
        %eq3A_238 = arith.constant 4 : i32
        %eq3A_239 = vector.broadcast %eq3A_238 : i32 to vector<16xi32>
        %eq3A_240 = arith.cmpi eq, %get3A_237, %eq3A_239 : vector<16xi32>
        %jit3A = arith.constant 1 : i32
        %jit3A_241 = arith.constant 0 : i32
        %broadcast_in_dim3A_242 = vector.broadcast %jit3A : i32 to vector<16xi32>
        %broadcast_in_dim3A_243 = vector.broadcast %jit3A_241 : i32 to vector<16xi32>
        %select_n3A = arith.select %eq3A_240, %broadcast_in_dim3A_242, %broadcast_in_dim3A_243 : vector<16xi1>, vector<16xi32>
        %broadcast_in_dim3A_244 = arith.constant true
        %broadcast_in_dim3A_245 = vector.broadcast %broadcast_in_dim3A_244 : i1 to vector<16xi1>
        %masked_cumsum3A = tpu.scan <sum>, %select_n3A masked %broadcast_in_dim3A_245 : vector<16xi32>, vector<16xi1> -> vector<16xi32>
        %add3A_246 = arith.addi %add3A_58, %while3A_233 : i32
        %add3A_247 = vector.broadcast %add3A_246 : i32 to vector<16xi32>
        %add3A_248 = arith.addi %add3A_247, %masked_cumsum3A : vector<16xi32>
        %sub3A_249 = arith.constant 1 : i32
        %sub3A_250 = vector.broadcast %sub3A_249 : i32 to vector<16xi32>
        %sub3A_251 = arith.subi %add3A_248, %sub3A_250 : vector<16xi32>
        %ge3A = vector.broadcast %mul3A_2 : i32 to vector<16xi32>
        %ge3A_252 = arith.cmpi sge, %sub3A_251, %ge3A : vector<16xi32>
        %and3A_253 = arith.andi %eq3A_240, %ge3A_252 : vector<16xi1>
        %add3A_254 = arith.constant 128 : i32
        %add3A_255 = arith.addi %mul3A_2, %add3A_254 : i32
        %lt3A_256 = vector.broadcast %add3A_255 : i32 to vector<16xi32>
        %lt3A_257 = arith.cmpi slt, %sub3A_251, %lt3A_256 : vector<16xi32>
        %and3A_258 = arith.andi %and3A_253, %lt3A_257 : vector<16xi1>
        %sub3A_259 = vector.broadcast %mul3A_2 : i32 to vector<16xi32>
        %sub3A_260 = arith.subi %sub3A_251, %sub3A_259 : vector<16xi32>
        %mul3A_261 = arith.constant 16 : i32
        %mul3A_262 = arith.muli %while3A_232, %mul3A_261 : i32
        %add3A_263 = vector.broadcast %mul3A_262 : i32 to vector<16xi32>
        %add3A_264 = arith.addi %iota3A, %add3A_263 : vector<16xi32>
        tpu.vector_store_idx %arg9[%sub3A_260], %add3A_264 masked %and3A_258 : memref<128xi32, #tpu.memory_space<vmem>>[vector<16xi32>], vector<16xi32>, vector<16xi1>
        %add3A_265 = arith.constant 1 : i32
        %add3A_266 = arith.addi %while3A_232, %add3A_265 : i32
        %reduce_sum3A_267 = arith.constant true
        %reduce_sum3A_268 = vector.broadcast %reduce_sum3A_267 : i1 to vector<16xi1>
        %reduce_sum3A_269 = tpu.scan <sum>, %select_n3A masked %reduce_sum3A_268 : vector<16xi32>, vector<16xi1> -> vector<16xi32>
        %reduce_sum3A_270 = vector.extract %reduce_sum3A_269[15] : i32 from vector<16xi32>
        %add3A_271 = arith.addi %while3A_233, %reduce_sum3A_270 : i32
        scf.yield %add3A_266, %add3A_271 : i32, i32
      }
    } else {
    }
    %gt3A_105 = arith.cmpi sgt, %add3A_60, %mul3A_2 : i32
    %add3A_106 = arith.constant 128 : i32
    %add3A_107 = arith.addi %mul3A_2, %add3A_106 : i32
    %lt3A_108 = arith.cmpi slt, %add3A_59, %add3A_107 : i32
    %and3A_109 = arith.andi %gt3A_105, %lt3A_108 : i1
    %convert_element_type3A_110 = arith.extui %and3A_109 : i1 to i32
    %cond3A_111 = arith.constant 0 : i32
    %cond3A_112 = arith.cmpi ne, %convert_element_type3A_110, %cond3A_111 : i32
    scf.if %cond3A_112 {
      %add3A_228 = arith.constant 128 : i32
      %add3A_229 = arith.addi %mul3A_2, %add3A_228 : i32
      %min3A = arith.minsi %add3A_60, %add3A_229 : i32
      %sub3A = arith.subi %min3A, %add3A_59 : i32
      %while3A = arith.constant 0 : i32
      %while3A_230 = arith.constant 0 : i32
      %while3A_231:2 = scf.while (%while3A_232 = %while3A, %while3A_233 = %while3A_230) : (i32, i32) -> (i32, i32) {
        %lt3A_234 = arith.constant 256 : i32
        %lt3A_235 = arith.cmpi slt, %while3A_232, %lt3A_234 : i32
        %lt3A_236 = arith.cmpi slt, %while3A_233, %sub3A : i32
        %and3A_237 = arith.andi %lt3A_235, %lt3A_236 : i1
        scf.condition(%and3A_237) %while3A_232, %while3A_233 : i32, i32
      } do {
      ^bb0(%while3A_232: i32, %while3A_233: i32):
        %mul3A_234 = arith.constant 16 : i32
        %mul3A_235 = arith.muli %while3A_232, %mul3A_234 : i32
        %get3A_236 = arith.index_cast %mul3A_235 : i32 to index
        %get3A_237 = tpu.vector_load %arg8[%get3A_236] {strides = array<i32>} : memref<4096xi32, #tpu.memory_space<vmem>>, vector<16xi32>,
        %eq3A_238 = arith.constant 5 : i32
        %eq3A_239 = vector.broadcast %eq3A_238 : i32 to vector<16xi32>
        %eq3A_240 = arith.cmpi eq, %get3A_237, %eq3A_239 : vector<16xi32>
        %jit3A = arith.constant 1 : i32
        %jit3A_241 = arith.constant 0 : i32
        %broadcast_in_dim3A_242 = vector.broadcast %jit3A : i32 to vector<16xi32>
        %broadcast_in_dim3A_243 = vector.broadcast %jit3A_241 : i32 to vector<16xi32>
        %select_n3A = arith.select %eq3A_240, %broadcast_in_dim3A_242, %broadcast_in_dim3A_243 : vector<16xi1>, vector<16xi32>
        %broadcast_in_dim3A_244 = arith.constant true
        %broadcast_in_dim3A_245 = vector.broadcast %broadcast_in_dim3A_244 : i1 to vector<16xi1>
        %masked_cumsum3A = tpu.scan <sum>, %select_n3A masked %broadcast_in_dim3A_245 : vector<16xi32>, vector<16xi1> -> vector<16xi32>
        %add3A_246 = arith.addi %add3A_59, %while3A_233 : i32
        %add3A_247 = vector.broadcast %add3A_246 : i32 to vector<16xi32>
        %add3A_248 = arith.addi %add3A_247, %masked_cumsum3A : vector<16xi32>
        %sub3A_249 = arith.constant 1 : i32
        %sub3A_250 = vector.broadcast %sub3A_249 : i32 to vector<16xi32>
        %sub3A_251 = arith.subi %add3A_248, %sub3A_250 : vector<16xi32>
        %ge3A = vector.broadcast %mul3A_2 : i32 to vector<16xi32>
        %ge3A_252 = arith.cmpi sge, %sub3A_251, %ge3A : vector<16xi32>
        %and3A_253 = arith.andi %eq3A_240, %ge3A_252 : vector<16xi1>
        %add3A_254 = arith.constant 128 : i32
        %add3A_255 = arith.addi %mul3A_2, %add3A_254 : i32
        %lt3A_256 = vector.broadcast %add3A_255 : i32 to vector<16xi32>
        %lt3A_257 = arith.cmpi slt, %sub3A_251, %lt3A_256 : vector<16xi32>
        %and3A_258 = arith.andi %and3A_253, %lt3A_257 : vector<16xi1>
        %sub3A_259 = vector.broadcast %mul3A_2 : i32 to vector<16xi32>
        %sub3A_260 = arith.subi %sub3A_251, %sub3A_259 : vector<16xi32>
        %mul3A_261 = arith.constant 16 : i32
        %mul3A_262 = arith.muli %while3A_232, %mul3A_261 : i32
        %add3A_263 = vector.broadcast %mul3A_262 : i32 to vector<16xi32>
        %add3A_264 = arith.addi %iota3A, %add3A_263 : vector<16xi32>
        tpu.vector_store_idx %arg9[%sub3A_260], %add3A_264 masked %and3A_258 : memref<128xi32, #tpu.memory_space<vmem>>[vector<16xi32>], vector<16xi32>, vector<16xi1>
        %add3A_265 = arith.constant 1 : i32
        %add3A_266 = arith.addi %while3A_232, %add3A_265 : i32
        %reduce_sum3A_267 = arith.constant true
        %reduce_sum3A_268 = vector.broadcast %reduce_sum3A_267 : i1 to vector<16xi1>
        %reduce_sum3A_269 = tpu.scan <sum>, %select_n3A masked %reduce_sum3A_268 : vector<16xi32>, vector<16xi1> -> vector<16xi32>
        %reduce_sum3A_270 = vector.extract %reduce_sum3A_269[15] : i32 from vector<16xi32>
        %add3A_271 = arith.addi %while3A_233, %reduce_sum3A_270 : i32
        scf.yield %add3A_266, %add3A_271 : i32, i32
      }
    } else {
    }
    %gt3A_113 = arith.cmpi sgt, %add3A_61, %mul3A_2 : i32
    %add3A_114 = arith.constant 128 : i32
    %add3A_115 = arith.addi %mul3A_2, %add3A_114 : i32
    %lt3A_116 = arith.cmpi slt, %add3A_60, %add3A_115 : i32
    %and3A_117 = arith.andi %gt3A_113, %lt3A_116 : i1
    %convert_element_type3A_118 = arith.extui %and3A_117 : i1 to i32
    %cond3A_119 = arith.constant 0 : i32
    %cond3A_120 = arith.cmpi ne, %convert_element_type3A_118, %cond3A_119 : i32
    scf.if %cond3A_120 {
      %add3A_228 = arith.constant 128 : i32
      %add3A_229 = arith.addi %mul3A_2, %add3A_228 : i32
      %min3A = arith.minsi %add3A_61, %add3A_229 : i32
      %sub3A = arith.subi %min3A, %add3A_60 : i32
      %while3A = arith.constant 0 : i32
      %while3A_230 = arith.constant 0 : i32
      %while3A_231:2 = scf.while (%while3A_232 = %while3A, %while3A_233 = %while3A_230) : (i32, i32) -> (i32, i32) {
        %lt3A_234 = arith.constant 256 : i32
        %lt3A_235 = arith.cmpi slt, %while3A_232, %lt3A_234 : i32
        %lt3A_236 = arith.cmpi slt, %while3A_233, %sub3A : i32
        %and3A_237 = arith.andi %lt3A_235, %lt3A_236 : i1
        scf.condition(%and3A_237) %while3A_232, %while3A_233 : i32, i32
      } do {
      ^bb0(%while3A_232: i32, %while3A_233: i32):
        %mul3A_234 = arith.constant 16 : i32
        %mul3A_235 = arith.muli %while3A_232, %mul3A_234 : i32
        %get3A_236 = arith.index_cast %mul3A_235 : i32 to index
        %get3A_237 = tpu.vector_load %arg8[%get3A_236] {strides = array<i32>} : memref<4096xi32, #tpu.memory_space<vmem>>, vector<16xi32>,
        %eq3A_238 = arith.constant 6 : i32
        %eq3A_239 = vector.broadcast %eq3A_238 : i32 to vector<16xi32>
        %eq3A_240 = arith.cmpi eq, %get3A_237, %eq3A_239 : vector<16xi32>
        %jit3A = arith.constant 1 : i32
        %jit3A_241 = arith.constant 0 : i32
        %broadcast_in_dim3A_242 = vector.broadcast %jit3A : i32 to vector<16xi32>
        %broadcast_in_dim3A_243 = vector.broadcast %jit3A_241 : i32 to vector<16xi32>
        %select_n3A = arith.select %eq3A_240, %broadcast_in_dim3A_242, %broadcast_in_dim3A_243 : vector<16xi1>, vector<16xi32>
        %broadcast_in_dim3A_244 = arith.constant true
        %broadcast_in_dim3A_245 = vector.broadcast %broadcast_in_dim3A_244 : i1 to vector<16xi1>
        %masked_cumsum3A = tpu.scan <sum>, %select_n3A masked %broadcast_in_dim3A_245 : vector<16xi32>, vector<16xi1> -> vector<16xi32>
        %add3A_246 = arith.addi %add3A_60, %while3A_233 : i32
        %add3A_247 = vector.broadcast %add3A_246 : i32 to vector<16xi32>
        %add3A_248 = arith.addi %add3A_247, %masked_cumsum3A : vector<16xi32>
        %sub3A_249 = arith.constant 1 : i32
        %sub3A_250 = vector.broadcast %sub3A_249 : i32 to vector<16xi32>
        %sub3A_251 = arith.subi %add3A_248, %sub3A_250 : vector<16xi32>
        %ge3A = vector.broadcast %mul3A_2 : i32 to vector<16xi32>
        %ge3A_252 = arith.cmpi sge, %sub3A_251, %ge3A : vector<16xi32>
        %and3A_253 = arith.andi %eq3A_240, %ge3A_252 : vector<16xi1>
        %add3A_254 = arith.constant 128 : i32
        %add3A_255 = arith.addi %mul3A_2, %add3A_254 : i32
        %lt3A_256 = vector.broadcast %add3A_255 : i32 to vector<16xi32>
        %lt3A_257 = arith.cmpi slt, %sub3A_251, %lt3A_256 : vector<16xi32>
        %and3A_258 = arith.andi %and3A_253, %lt3A_257 : vector<16xi1>
        %sub3A_259 = vector.broadcast %mul3A_2 : i32 to vector<16xi32>
        %sub3A_260 = arith.subi %sub3A_251, %sub3A_259 : vector<16xi32>
        %mul3A_261 = arith.constant 16 : i32
        %mul3A_262 = arith.muli %while3A_232, %mul3A_261 : i32
        %add3A_263 = vector.broadcast %mul3A_262 : i32 to vector<16xi32>
        %add3A_264 = arith.addi %iota3A, %add3A_263 : vector<16xi32>
        tpu.vector_store_idx %arg9[%sub3A_260], %add3A_264 masked %and3A_258 : memref<128xi32, #tpu.memory_space<vmem>>[vector<16xi32>], vector<16xi32>, vector<16xi1>
        %add3A_265 = arith.constant 1 : i32
        %add3A_266 = arith.addi %while3A_232, %add3A_265 : i32
        %reduce_sum3A_267 = arith.constant true
        %reduce_sum3A_268 = vector.broadcast %reduce_sum3A_267 : i1 to vector<16xi1>
        %reduce_sum3A_269 = tpu.scan <sum>, %select_n3A masked %reduce_sum3A_268 : vector<16xi32>, vector<16xi1> -> vector<16xi32>
        %reduce_sum3A_270 = vector.extract %reduce_sum3A_269[15] : i32 from vector<16xi32>
        %add3A_271 = arith.addi %while3A_233, %reduce_sum3A_270 : i32
        scf.yield %add3A_266, %add3A_271 : i32, i32
      }
    } else {
    }
    %gt3A_121 = arith.cmpi sgt, %add3A_62, %mul3A_2 : i32
    %add3A_122 = arith.constant 128 : i32
    %add3A_123 = arith.addi %mul3A_2, %add3A_122 : i32
    %lt3A_124 = arith.cmpi slt, %add3A_61, %add3A_123 : i32
    %and3A_125 = arith.andi %gt3A_121, %lt3A_124 : i1
    %convert_element_type3A_126 = arith.extui %and3A_125 : i1 to i32
    %cond3A_127 = arith.constant 0 : i32
    %cond3A_128 = arith.cmpi ne, %convert_element_type3A_126, %cond3A_127 : i32
    scf.if %cond3A_128 {
      %add3A_228 = arith.constant 128 : i32
      %add3A_229 = arith.addi %mul3A_2, %add3A_228 : i32
      %min3A = arith.minsi %add3A_62, %add3A_229 : i32
      %sub3A = arith.subi %min3A, %add3A_61 : i32
      %while3A = arith.constant 0 : i32
      %while3A_230 = arith.constant 0 : i32
      %while3A_231:2 = scf.while (%while3A_232 = %while3A, %while3A_233 = %while3A_230) : (i32, i32) -> (i32, i32) {
        %lt3A_234 = arith.constant 256 : i32
        %lt3A_235 = arith.cmpi slt, %while3A_232, %lt3A_234 : i32
        %lt3A_236 = arith.cmpi slt, %while3A_233, %sub3A : i32
        %and3A_237 = arith.andi %lt3A_235, %lt3A_236 : i1
        scf.condition(%and3A_237) %while3A_232, %while3A_233 : i32, i32
      } do {
      ^bb0(%while3A_232: i32, %while3A_233: i32):
        %mul3A_234 = arith.constant 16 : i32
        %mul3A_235 = arith.muli %while3A_232, %mul3A_234 : i32
        %get3A_236 = arith.index_cast %mul3A_235 : i32 to index
        %get3A_237 = tpu.vector_load %arg8[%get3A_236] {strides = array<i32>} : memref<4096xi32, #tpu.memory_space<vmem>>, vector<16xi32>,
        %eq3A_238 = arith.constant 7 : i32
        %eq3A_239 = vector.broadcast %eq3A_238 : i32 to vector<16xi32>
        %eq3A_240 = arith.cmpi eq, %get3A_237, %eq3A_239 : vector<16xi32>
        %jit3A = arith.constant 1 : i32
        %jit3A_241 = arith.constant 0 : i32
        %broadcast_in_dim3A_242 = vector.broadcast %jit3A : i32 to vector<16xi32>
        %broadcast_in_dim3A_243 = vector.broadcast %jit3A_241 : i32 to vector<16xi32>
        %select_n3A = arith.select %eq3A_240, %broadcast_in_dim3A_242, %broadcast_in_dim3A_243 : vector<16xi1>, vector<16xi32>
        %broadcast_in_dim3A_244 = arith.constant true
        %broadcast_in_dim3A_245 = vector.broadcast %broadcast_in_dim3A_244 : i1 to vector<16xi1>
        %masked_cumsum3A = tpu.scan <sum>, %select_n3A masked %broadcast_in_dim3A_245 : vector<16xi32>, vector<16xi1> -> vector<16xi32>
        %add3A_246 = arith.addi %add3A_61, %while3A_233 : i32
        %add3A_247 = vector.broadcast %add3A_246 : i32 to vector<16xi32>
        %add3A_248 = arith.addi %add3A_247, %masked_cumsum3A : vector<16xi32>
        %sub3A_249 = arith.constant 1 : i32
        %sub3A_250 = vector.broadcast %sub3A_249 : i32 to vector<16xi32>
        %sub3A_251 = arith.subi %add3A_248, %sub3A_250 : vector<16xi32>
        %ge3A = vector.broadcast %mul3A_2 : i32 to vector<16xi32>
        %ge3A_252 = arith.cmpi sge, %sub3A_251, %ge3A : vector<16xi32>
        %and3A_253 = arith.andi %eq3A_240, %ge3A_252 : vector<16xi1>
        %add3A_254 = arith.constant 128 : i32
        %add3A_255 = arith.addi %mul3A_2, %add3A_254 : i32
        %lt3A_256 = vector.broadcast %add3A_255 : i32 to vector<16xi32>
        %lt3A_257 = arith.cmpi slt, %sub3A_251, %lt3A_256 : vector<16xi32>
        %and3A_258 = arith.andi %and3A_253, %lt3A_257 : vector<16xi1>
        %sub3A_259 = vector.broadcast %mul3A_2 : i32 to vector<16xi32>
        %sub3A_260 = arith.subi %sub3A_251, %sub3A_259 : vector<16xi32>
        %mul3A_261 = arith.constant 16 : i32
        %mul3A_262 = arith.muli %while3A_232, %mul3A_261 : i32
        %add3A_263 = vector.broadcast %mul3A_262 : i32 to vector<16xi32>
        %add3A_264 = arith.addi %iota3A, %add3A_263 : vector<16xi32>
        tpu.vector_store_idx %arg9[%sub3A_260], %add3A_264 masked %and3A_258 : memref<128xi32, #tpu.memory_space<vmem>>[vector<16xi32>], vector<16xi32>, vector<16xi1>
        %add3A_265 = arith.constant 1 : i32
        %add3A_266 = arith.addi %while3A_232, %add3A_265 : i32
        %reduce_sum3A_267 = arith.constant true
        %reduce_sum3A_268 = vector.broadcast %reduce_sum3A_267 : i1 to vector<16xi1>
        %reduce_sum3A_269 = tpu.scan <sum>, %select_n3A masked %reduce_sum3A_268 : vector<16xi32>, vector<16xi1> -> vector<16xi32>
        %reduce_sum3A_270 = vector.extract %reduce_sum3A_269[15] : i32 from vector<16xi32>
        %add3A_271 = arith.addi %while3A_233, %reduce_sum3A_270 : i32
        scf.yield %add3A_266, %add3A_271 : i32, i32
      }
    } else {
    }
    %get3A = arith.constant 0 : index
    %get3A_129 = tpu.vector_load %arg9[%get3A] {strides = array<i32>} : memref<128xi32, #tpu.memory_space<vmem>>, vector<16xi32>,
    %shift_right_logical3A = arith.constant 1 : i32
    %shift_right_logical3A_130 = vector.broadcast %shift_right_logical3A : i32 to vector<16xi32>
    %shift_right_logical3A_131 = arith.shrui %get3A_129, %shift_right_logical3A_130 : vector<16xi32>
    %swap3A = arith.constant 0 : index
    %swap3A_132 = tpu.vector_load %arg10[%swap3A] {strides = array<i32>} : memref<128xi32, #tpu.memory_space<vmem>>, vector<16xi32>,
    tpu.vector_store %arg10[%swap3A], %shift_right_logical3A_131 {strides = array<i32>} : memref<128xi32, #tpu.memory_space<vmem>>, vector<16xi32>,
    %get3A_133 = arith.constant 16 : index
    %get3A_134 = tpu.vector_load %arg9[%get3A_133] {strides = array<i32>} : memref<128xi32, #tpu.memory_space<vmem>>, vector<16xi32>,
    %shift_right_logical3A_135 = arith.constant 1 : i32
    %shift_right_logical3A_136 = vector.broadcast %shift_right_logical3A_135 : i32 to vector<16xi32>
    %shift_right_logical3A_137 = arith.shrui %get3A_134, %shift_right_logical3A_136 : vector<16xi32>
    %swap3A_138 = arith.constant 16 : index
    %swap3A_139 = tpu.vector_load %arg10[%swap3A_138] {strides = array<i32>} : memref<128xi32, #tpu.memory_space<vmem>>, vector<16xi32>,
    tpu.vector_store %arg10[%swap3A_138], %shift_right_logical3A_137 {strides = array<i32>} : memref<128xi32, #tpu.memory_space<vmem>>, vector<16xi32>,
    %get3A_140 = arith.constant 32 : index
    %get3A_141 = tpu.vector_load %arg9[%get3A_140] {strides = array<i32>} : memref<128xi32, #tpu.memory_space<vmem>>, vector<16xi32>,
    %shift_right_logical3A_142 = arith.constant 1 : i32
    %shift_right_logical3A_143 = vector.broadcast %shift_right_logical3A_142 : i32 to vector<16xi32>
    %shift_right_logical3A_144 = arith.shrui %get3A_141, %shift_right_logical3A_143 : vector<16xi32>
    %swap3A_145 = arith.constant 32 : index
    %swap3A_146 = tpu.vector_load %arg10[%swap3A_145] {strides = array<i32>} : memref<128xi32, #tpu.memory_space<vmem>>, vector<16xi32>,
    tpu.vector_store %arg10[%swap3A_145], %shift_right_logical3A_144 {strides = array<i32>} : memref<128xi32, #tpu.memory_space<vmem>>, vector<16xi32>,
    %get3A_147 = arith.constant 48 : index
    %get3A_148 = tpu.vector_load %arg9[%get3A_147] {strides = array<i32>} : memref<128xi32, #tpu.memory_space<vmem>>, vector<16xi32>,
    %shift_right_logical3A_149 = arith.constant 1 : i32
    %shift_right_logical3A_150 = vector.broadcast %shift_right_logical3A_149 : i32 to vector<16xi32>
    %shift_right_logical3A_151 = arith.shrui %get3A_148, %shift_right_logical3A_150 : vector<16xi32>
    %swap3A_152 = arith.constant 48 : index
    %swap3A_153 = tpu.vector_load %arg10[%swap3A_152] {strides = array<i32>} : memref<128xi32, #tpu.memory_space<vmem>>, vector<16xi32>,
    tpu.vector_store %arg10[%swap3A_152], %shift_right_logical3A_151 {strides = array<i32>} : memref<128xi32, #tpu.memory_space<vmem>>, vector<16xi32>,
    %get3A_154 = arith.constant 64 : index
    %get3A_155 = tpu.vector_load %arg9[%get3A_154] {strides = array<i32>} : memref<128xi32, #tpu.memory_space<vmem>>, vector<16xi32>,
    %shift_right_logical3A_156 = arith.constant 1 : i32
    %shift_right_logical3A_157 = vector.broadcast %shift_right_logical3A_156 : i32 to vector<16xi32>
    %shift_right_logical3A_158 = arith.shrui %get3A_155, %shift_right_logical3A_157 : vector<16xi32>
    %swap3A_159 = arith.constant 64 : index
    %swap3A_160 = tpu.vector_load %arg10[%swap3A_159] {strides = array<i32>} : memref<128xi32, #tpu.memory_space<vmem>>, vector<16xi32>,
    tpu.vector_store %arg10[%swap3A_159], %shift_right_logical3A_158 {strides = array<i32>} : memref<128xi32, #tpu.memory_space<vmem>>, vector<16xi32>,
    %get3A_161 = arith.constant 80 : index
    %get3A_162 = tpu.vector_load %arg9[%get3A_161] {strides = array<i32>} : memref<128xi32, #tpu.memory_space<vmem>>, vector<16xi32>,
    %shift_right_logical3A_163 = arith.constant 1 : i32
    %shift_right_logical3A_164 = vector.broadcast %shift_right_logical3A_163 : i32 to vector<16xi32>
    %shift_right_logical3A_165 = arith.shrui %get3A_162, %shift_right_logical3A_164 : vector<16xi32>
    %swap3A_166 = arith.constant 80 : index
    %swap3A_167 = tpu.vector_load %arg10[%swap3A_166] {strides = array<i32>} : memref<128xi32, #tpu.memory_space<vmem>>, vector<16xi32>,
    tpu.vector_store %arg10[%swap3A_166], %shift_right_logical3A_165 {strides = array<i32>} : memref<128xi32, #tpu.memory_space<vmem>>, vector<16xi32>,
    %get3A_168 = arith.constant 96 : index
    %get3A_169 = tpu.vector_load %arg9[%get3A_168] {strides = array<i32>} : memref<128xi32, #tpu.memory_space<vmem>>, vector<16xi32>,
    %shift_right_logical3A_170 = arith.constant 1 : i32
    %shift_right_logical3A_171 = vector.broadcast %shift_right_logical3A_170 : i32 to vector<16xi32>
    %shift_right_logical3A_172 = arith.shrui %get3A_169, %shift_right_logical3A_171 : vector<16xi32>
    %swap3A_173 = arith.constant 96 : index
    %swap3A_174 = tpu.vector_load %arg10[%swap3A_173] {strides = array<i32>} : memref<128xi32, #tpu.memory_space<vmem>>, vector<16xi32>,
    tpu.vector_store %arg10[%swap3A_173], %shift_right_logical3A_172 {strides = array<i32>} : memref<128xi32, #tpu.memory_space<vmem>>, vector<16xi32>,
    %get3A_175 = arith.constant 112 : index
    %get3A_176 = tpu.vector_load %arg9[%get3A_175] {strides = array<i32>} : memref<128xi32, #tpu.memory_space<vmem>>, vector<16xi32>,
    %shift_right_logical3A_177 = arith.constant 1 : i32
    %shift_right_logical3A_178 = vector.broadcast %shift_right_logical3A_177 : i32 to vector<16xi32>
    %shift_right_logical3A_179 = arith.shrui %get3A_176, %shift_right_logical3A_178 : vector<16xi32>
    %swap3A_180 = arith.constant 112 : index
    %swap3A_181 = tpu.vector_load %arg10[%swap3A_180] {strides = array<i32>} : memref<128xi32, #tpu.memory_space<vmem>>, vector<16xi32>,
    tpu.vector_store %arg10[%swap3A_180], %shift_right_logical3A_179 {strides = array<i32>} : memref<128xi32, #tpu.memory_space<vmem>>, vector<16xi32>,
    %dma_start3A = arith.constant 0 : i32
    %dma_start3A_182 = tpu.memref_slice %arg10[%dma_start3A] : memref<128xi32, #tpu.memory_space<vmem>> -> memref<32xi32, #tpu.memory_space<vmem>>
    %dma_start3A_183 = arith.constant 0 : i32
    %dma_start3A_184 = arith.constant 0 : i32
    %dma_start3A_185 = tpu.memref_slice %arg3[%dma_start3A_183, %dma_start3A_184] : memref<2048x1024xf32, #tpu.memory_space<hbm>> -> memref<2048x1024xf32, #tpu.memory_space<hbm>>
    tpu.enqueue_indirect_dma source(%dma_start3A_185 : memref<2048x1024xf32, #tpu.memory_space<hbm>>) target(%arg11 : memref<32x1024xf32, #tpu.memory_space<vmem>>) offsets(%dma_start3A_182 : memref<32xi32, #tpu.memory_space<vmem>>) semaphore(%arg14 : memref<!tpu.dma_semaphore, #tpu.memory_space<semaphore_mem>>)
    %dma_start3A_186 = arith.constant 32 : i32
    %dma_start3A_187 = tpu.memref_slice %arg10[%dma_start3A_186] : memref<128xi32, #tpu.memory_space<vmem>> -> memref<32xi32, #tpu.memory_space<vmem>>
    %dma_start3A_188 = arith.constant 0 : i32
    %dma_start3A_189 = arith.constant 0 : i32
    %dma_start3A_190 = tpu.memref_slice %arg3[%dma_start3A_188, %dma_start3A_189] : memref<2048x1024xf32, #tpu.memory_space<hbm>> -> memref<2048x1024xf32, #tpu.memory_space<hbm>>
    tpu.enqueue_indirect_dma source(%dma_start3A_190 : memref<2048x1024xf32, #tpu.memory_space<hbm>>) target(%arg12 : memref<32x1024xf32, #tpu.memory_space<vmem>>) offsets(%dma_start3A_187 : memref<32xi32, #tpu.memory_space<vmem>>) semaphore(%arg15 : memref<!tpu.dma_semaphore, #tpu.memory_space<semaphore_mem>>)
    %dma_wait3A = arith.constant 0 : i32
    %dma_wait3A_191 = tpu.memref_slice %arg10[%dma_wait3A] : memref<128xi32, #tpu.memory_space<vmem>> -> memref<32xi32, #tpu.memory_space<vmem>>
    %dma_wait3A_192 = arith.constant 0 : i32
    %dma_wait3A_193 = arith.constant 0 : i32
    %dma_wait3A_194 = tpu.memref_slice %arg3[%dma_wait3A_192, %dma_wait3A_193] : memref<2048x1024xf32, #tpu.memory_space<hbm>> -> memref<2048x1024xf32, #tpu.memory_space<hbm>>
    tpu.wait_indirect_dma semaphore(%arg14 : memref<!tpu.dma_semaphore, #tpu.memory_space<semaphore_mem>>) src(%dma_wait3A_194 : memref<2048x1024xf32, #tpu.memory_space<hbm>>) dst(%arg11 : memref<32x1024xf32, #tpu.memory_space<vmem>>)
    %add3A_195 = arith.constant 0 : i32
    %add3A_196 = arith.addi %mul3A_2, %add3A_195 : i32
    "tpu.region"() ({
      %run_scoped3A = tpu.sem_alloc : memref<!tpu.dma_semaphore, #tpu.memory_space<semaphore_mem>>
      %dma_start3A_228 = arith.constant 0 : i32
      %dma_start3A_229 = tpu.memref_slice %arg4[%add3A_196, %dma_start3A_228] : memref<4096x1024xf32, #tpu.memory_space<hbm>> -> memref<32x1024xf32, #tpu.memory_space<hbm>>
      %dma_start3A_230 = arith.constant 0 : i32
      %dma_start3A_231 = tpu.memref_slice %arg4[%add3A_196, %dma_start3A_230] : memref<4096x1024xf32, #tpu.memory_space<hbm>> -> memref<32x1024xf32, #tpu.memory_space<hbm>>
      tpu.enqueue_dma source(%arg11 : memref<32x1024xf32, #tpu.memory_space<vmem>>) target(%dma_start3A_231 : memref<32x1024xf32, #tpu.memory_space<hbm>>) target_semaphore(%run_scoped3A : memref<!tpu.dma_semaphore, #tpu.memory_space<semaphore_mem>>)
      %dma_wait3A_232 = arith.constant 0 : i32
      %dma_wait3A_233 = tpu.memref_slice %arg4[%add3A_196, %dma_wait3A_232] : memref<4096x1024xf32, #tpu.memory_space<hbm>> -> memref<32x1024xf32, #tpu.memory_space<hbm>>
      %dma_wait3A_234 = arith.constant 0 : i32
      %dma_wait3A_235 = tpu.memref_slice %arg4[%add3A_196, %dma_wait3A_234] : memref<4096x1024xf32, #tpu.memory_space<hbm>> -> memref<32x1024xf32, #tpu.memory_space<hbm>>
      tpu.wait_dma2 semaphore(%run_scoped3A : memref<!tpu.dma_semaphore, #tpu.memory_space<semaphore_mem>>) src(%arg11 : memref<32x1024xf32, #tpu.memory_space<vmem>>) dst(%dma_wait3A_235 : memref<32x1024xf32, #tpu.memory_space<hbm>>)
      tpu.yield
    }) : () -> ()
    %dma_start3A_197 = arith.constant 64 : i32
    %dma_start3A_198 = tpu.memref_slice %arg10[%dma_start3A_197] : memref<128xi32, #tpu.memory_space<vmem>> -> memref<32xi32, #tpu.memory_space<vmem>>
    %dma_start3A_199 = arith.constant 0 : i32
    %dma_start3A_200 = arith.constant 0 : i32
    %dma_start3A_201 = tpu.memref_slice %arg3[%dma_start3A_199, %dma_start3A_200] : memref<2048x1024xf32, #tpu.memory_space<hbm>> -> memref<2048x1024xf32, #tpu.memory_space<hbm>>
    tpu.enqueue_indirect_dma source(%dma_start3A_201 : memref<2048x1024xf32, #tpu.memory_space<hbm>>) target(%arg11 : memref<32x1024xf32, #tpu.memory_space<vmem>>) offsets(%dma_start3A_198 : memref<32xi32, #tpu.memory_space<vmem>>) semaphore(%arg14 : memref<!tpu.dma_semaphore, #tpu.memory_space<semaphore_mem>>)
    %dma_wait3A_202 = arith.constant 32 : i32
    %dma_wait3A_203 = tpu.memref_slice %arg10[%dma_wait3A_202] : memref<128xi32, #tpu.memory_space<vmem>> -> memref<32xi32, #tpu.memory_space<vmem>>
    %dma_wait3A_204 = arith.constant 0 : i32
    %dma_wait3A_205 = arith.constant 0 : i32
    %dma_wait3A_206 = tpu.memref_slice %arg3[%dma_wait3A_204, %dma_wait3A_205] : memref<2048x1024xf32, #tpu.memory_space<hbm>> -> memref<2048x1024xf32, #tpu.memory_space<hbm>>
    tpu.wait_indirect_dma semaphore(%arg15 : memref<!tpu.dma_semaphore, #tpu.memory_space<semaphore_mem>>) src(%dma_wait3A_206 : memref<2048x1024xf32, #tpu.memory_space<hbm>>) dst(%arg12 : memref<32x1024xf32, #tpu.memory_space<vmem>>)
    %add3A_207 = arith.constant 32 : i32
    %add3A_208 = arith.addi %mul3A_2, %add3A_207 : i32
    "tpu.region"() ({
      %run_scoped3A = tpu.sem_alloc : memref<!tpu.dma_semaphore, #tpu.memory_space<semaphore_mem>>
      %dma_start3A_228 = arith.constant 0 : i32
      %dma_start3A_229 = tpu.memref_slice %arg4[%add3A_208, %dma_start3A_228] : memref<4096x1024xf32, #tpu.memory_space<hbm>> -> memref<32x1024xf32, #tpu.memory_space<hbm>>
      %dma_start3A_230 = arith.constant 0 : i32
      %dma_start3A_231 = tpu.memref_slice %arg4[%add3A_208, %dma_start3A_230] : memref<4096x1024xf32, #tpu.memory_space<hbm>> -> memref<32x1024xf32, #tpu.memory_space<hbm>>
      tpu.enqueue_dma source(%arg12 : memref<32x1024xf32, #tpu.memory_space<vmem>>) target(%dma_start3A_231 : memref<32x1024xf32, #tpu.memory_space<hbm>>) target_semaphore(%run_scoped3A : memref<!tpu.dma_semaphore, #tpu.memory_space<semaphore_mem>>)
      %dma_wait3A_232 = arith.constant 0 : i32
      %dma_wait3A_233 = tpu.memref_slice %arg4[%add3A_208, %dma_wait3A_232] : memref<4096x1024xf32, #tpu.memory_space<hbm>> -> memref<32x1024xf32, #tpu.memory_space<hbm>>
      %dma_wait3A_234 = arith.constant 0 : i32
      %dma_wait3A_235 = tpu.memref_slice %arg4[%add3A_208, %dma_wait3A_234] : memref<4096x1024xf32, #tpu.memory_space<hbm>> -> memref<32x1024xf32, #tpu.memory_space<hbm>>
      tpu.wait_dma2 semaphore(%run_scoped3A : memref<!tpu.dma_semaphore, #tpu.memory_space<semaphore_mem>>) src(%arg12 : memref<32x1024xf32, #tpu.memory_space<vmem>>) dst(%dma_wait3A_235 : memref<32x1024xf32, #tpu.memory_space<hbm>>)
      tpu.yield
    }) : () -> ()
    %dma_start3A_209 = arith.constant 96 : i32
    %dma_start3A_210 = tpu.memref_slice %arg10[%dma_start3A_209] : memref<128xi32, #tpu.memory_space<vmem>> -> memref<32xi32, #tpu.memory_space<vmem>>
    %dma_start3A_211 = arith.constant 0 : i32
    %dma_start3A_212 = arith.constant 0 : i32
    %dma_start3A_213 = tpu.memref_slice %arg3[%dma_start3A_211, %dma_start3A_212] : memref<2048x1024xf32, #tpu.memory_space<hbm>> -> memref<2048x1024xf32, #tpu.memory_space<hbm>>
    tpu.enqueue_indirect_dma source(%dma_start3A_213 : memref<2048x1024xf32, #tpu.memory_space<hbm>>) target(%arg12 : memref<32x1024xf32, #tpu.memory_space<vmem>>) offsets(%dma_start3A_210 : memref<32xi32, #tpu.memory_space<vmem>>) semaphore(%arg15 : memref<!tpu.dma_semaphore, #tpu.memory_space<semaphore_mem>>)
    %dma_wait3A_214 = arith.constant 64 : i32
    %dma_wait3A_215 = tpu.memref_slice %arg10[%dma_wait3A_214] : memref<128xi32, #tpu.memory_space<vmem>> -> memref<32xi32, #tpu.memory_space<vmem>>
    %dma_wait3A_216 = arith.constant 0 : i32
    %dma_wait3A_217 = arith.constant 0 : i32
    %dma_wait3A_218 = tpu.memref_slice %arg3[%dma_wait3A_216, %dma_wait3A_217] : memref<2048x1024xf32, #tpu.memory_space<hbm>> -> memref<2048x1024xf32, #tpu.memory_space<hbm>>
    tpu.wait_indirect_dma semaphore(%arg14 : memref<!tpu.dma_semaphore, #tpu.memory_space<semaphore_mem>>) src(%dma_wait3A_218 : memref<2048x1024xf32, #tpu.memory_space<hbm>>) dst(%arg11 : memref<32x1024xf32, #tpu.memory_space<vmem>>)
    %add3A_219 = arith.constant 64 : i32
    %add3A_220 = arith.addi %mul3A_2, %add3A_219 : i32
    "tpu.region"() ({
      %run_scoped3A = tpu.sem_alloc : memref<!tpu.dma_semaphore, #tpu.memory_space<semaphore_mem>>
      %dma_start3A_228 = arith.constant 0 : i32
      %dma_start3A_229 = tpu.memref_slice %arg4[%add3A_220, %dma_start3A_228] : memref<4096x1024xf32, #tpu.memory_space<hbm>> -> memref<32x1024xf32, #tpu.memory_space<hbm>>
      %dma_start3A_230 = arith.constant 0 : i32
      %dma_start3A_231 = tpu.memref_slice %arg4[%add3A_220, %dma_start3A_230] : memref<4096x1024xf32, #tpu.memory_space<hbm>> -> memref<32x1024xf32, #tpu.memory_space<hbm>>
      tpu.enqueue_dma source(%arg11 : memref<32x1024xf32, #tpu.memory_space<vmem>>) target(%dma_start3A_231 : memref<32x1024xf32, #tpu.memory_space<hbm>>) target_semaphore(%run_scoped3A : memref<!tpu.dma_semaphore, #tpu.memory_space<semaphore_mem>>)
      %dma_wait3A_232 = arith.constant 0 : i32
      %dma_wait3A_233 = tpu.memref_slice %arg4[%add3A_220, %dma_wait3A_232] : memref<4096x1024xf32, #tpu.memory_space<hbm>> -> memref<32x1024xf32, #tpu.memory_space<hbm>>
      %dma_wait3A_234 = arith.constant 0 : i32
      %dma_wait3A_235 = tpu.memref_slice %arg4[%add3A_220, %dma_wait3A_234] : memref<4096x1024xf32, #tpu.memory_space<hbm>> -> memref<32x1024xf32, #tpu.memory_space<hbm>>
      tpu.wait_dma2 semaphore(%run_scoped3A : memref<!tpu.dma_semaphore, #tpu.memory_space<semaphore_mem>>) src(%arg11 : memref<32x1024xf32, #tpu.memory_space<vmem>>) dst(%dma_wait3A_235 : memref<32x1024xf32, #tpu.memory_space<hbm>>)
      tpu.yield
    }) : () -> ()
    %dma_wait3A_221 = arith.constant 96 : i32
    %dma_wait3A_222 = tpu.memref_slice %arg10[%dma_wait3A_221] : memref<128xi32, #tpu.memory_space<vmem>> -> memref<32xi32, #tpu.memory_space<vmem>>
    %dma_wait3A_223 = arith.constant 0 : i32
    %dma_wait3A_224 = arith.constant 0 : i32
    %dma_wait3A_225 = tpu.memref_slice %arg3[%dma_wait3A_223, %dma_wait3A_224] : memref<2048x1024xf32, #tpu.memory_space<hbm>> -> memref<2048x1024xf32, #tpu.memory_space<hbm>>
    tpu.wait_indirect_dma semaphore(%arg15 : memref<!tpu.dma_semaphore, #tpu.memory_space<semaphore_mem>>) src(%dma_wait3A_225 : memref<2048x1024xf32, #tpu.memory_space<hbm>>) dst(%arg12 : memref<32x1024xf32, #tpu.memory_space<vmem>>)
    %add3A_226 = arith.constant 96 : i32
    %add3A_227 = arith.addi %mul3A_2, %add3A_226 : i32
    "tpu.region"() ({
      %run_scoped3A = tpu.sem_alloc : memref<!tpu.dma_semaphore, #tpu.memory_space<semaphore_mem>>
      %dma_start3A_228 = arith.constant 0 : i32
      %dma_start3A_229 = tpu.memref_slice %arg4[%add3A_227, %dma_start3A_228] : memref<4096x1024xf32, #tpu.memory_space<hbm>> -> memref<32x1024xf32, #tpu.memory_space<hbm>>
      %dma_start3A_230 = arith.constant 0 : i32
      %dma_start3A_231 = tpu.memref_slice %arg4[%add3A_227, %dma_start3A_230] : memref<4096x1024xf32, #tpu.memory_space<hbm>> -> memref<32x1024xf32, #tpu.memory_space<hbm>>
      tpu.enqueue_dma source(%arg12 : memref<32x1024xf32, #tpu.memory_space<vmem>>) target(%dma_start3A_231 : memref<32x1024xf32, #tpu.memory_space<hbm>>) target_semaphore(%run_scoped3A : memref<!tpu.dma_semaphore, #tpu.memory_space<semaphore_mem>>)
      %dma_wait3A_232 = arith.constant 0 : i32
      %dma_wait3A_233 = tpu.memref_slice %arg4[%add3A_227, %dma_wait3A_232] : memref<4096x1024xf32, #tpu.memory_space<hbm>> -> memref<32x1024xf32, #tpu.memory_space<hbm>>
      %dma_wait3A_234 = arith.constant 0 : i32
      %dma_wait3A_235 = tpu.memref_slice %arg4[%add3A_227, %dma_wait3A_234] : memref<4096x1024xf32, #tpu.memory_space<hbm>> -> memref<32x1024xf32, #tpu.memory_space<hbm>>
      tpu.wait_dma2 semaphore(%run_scoped3A : memref<!tpu.dma_semaphore, #tpu.memory_space<semaphore_mem>>) src(%arg12 : memref<32x1024xf32, #tpu.memory_space<vmem>>) dst(%dma_wait3A_235 : memref<32x1024xf32, #tpu.memory_space<hbm>>)
      tpu.yield
    }) : () -> ()
    return
  }
}

module attributes {stable_mosaic.version = 14 : i64} {
  func.func @_gmm_body(%arg0: i32, %arg1: memref<32xi32, #tpu.memory_space<smem>>, %arg2: memref<32xi32, #tpu.memory_space<smem>>, %arg3: memref<16xi32, #tpu.memory_space<smem>>, %arg4: memref<256x1024xf32, #tpu.memory_space<vmem>>, %arg5: memref<1x1024x4096xf32, #tpu.memory_space<vmem>>, %arg6: memref<1x2048x1024xf32, #tpu.memory_space<vmem>>, %arg7: memref<256x1024xf32, #tpu.memory_space<vmem>>) attributes {dimension_semantics = [#tpu.dimension_semantics<arbitrary>], iteration_bounds = array<i64: 23>, scalar_prefetch = 3 : i64, scratch_operands = 0 : i64, tpu.core_type = #tpu.core_type<tc>, window_params = [{transform_indices = @transform_0, window_bounds = array<i64: 256, 1024>}, {transform_indices = @transform_1, window_bounds = array<i64: 1, 1024, 4096>}, {transform_indices = @transform_2, window_bounds = array<i64: 1, 2048, 1024>}, {transform_indices = @transform_3, window_bounds = array<i64: 256, 1024>}]} {
    %get3A = arith.index_cast %arg0 : i32 to index
    %get3A_0 = memref.load %arg1[%get3A] : memref<32xi32, #tpu.memory_space<smem>>
    %get3A_1 = arith.index_cast %arg0 : i32 to index
    %get3A_2 = memref.load %arg2[%get3A_1] : memref<32xi32, #tpu.memory_space<smem>>
    %mul3A = arith.constant 256 : i32
    %mul3A_3 = arith.muli %get3A_2, %mul3A : i32
    %get3A_4 = arith.index_cast %get3A_0 : i32 to index
    %get3A_5 = memref.load %arg3[%get3A_4] : memref<16xi32, #tpu.memory_space<smem>>
    %sub3A = arith.subi %get3A_5, %mul3A_3 : i32
    %jit3A = arith.constant 0 : i32
    %jit3A_6 = arith.constant 256 : i32
    %max3A = arith.maxsi %jit3A, %sub3A : i32
    %min3A = arith.minsi %jit3A_6, %max3A : i32
    %add3A = arith.constant 1 : i32
    %add3A_7 = arith.addi %get3A_0, %add3A : i32
    %get3A_8 = arith.index_cast %add3A_7 : i32 to index
    %get3A_9 = memref.load %arg3[%get3A_8] : memref<16xi32, #tpu.memory_space<smem>>
    %sub3A_10 = arith.subi %get3A_9, %mul3A_3 : i32
    %jit3A_11 = arith.constant 0 : i32
    %jit3A_12 = arith.constant 256 : i32
    %max3A_13 = arith.maxsi %jit3A_11, %sub3A_10 : i32
    %min3A_14 = arith.minsi %jit3A_12, %max3A_13 : i32
    %get3A_15 = arith.constant 0 : index
    %get3A_16 = arith.constant 0 : index
    %get3A_17 = vector.load %arg4[%get3A_15, %get3A_16] : memref<256x1024xf32, #tpu.memory_space<vmem>>, vector<256x1024xf32>
    %get3A_18 = arith.constant 0 : index
    %get3A_19 = arith.constant 0 : index
    %get3A_20 = arith.constant 0 : index
    %get3A_21 = vector.load %arg5[%get3A_18, %get3A_19, %get3A_20] : memref<1x1024x4096xf32, #tpu.memory_space<vmem>>, vector<1x1024x4096xf32>
    %get3A_22 = vector.shape_cast %get3A_21 : vector<1x1024x4096xf32> to vector<1024x4096xf32>
    %dot_general3A = arith.constant dense<0.000000e+00> : vector<256x4096xf32>
    %dot_general3A_23 = tpu.matmul %get3A_17, %get3A_22, %dot_general3A {dimension_numbers = #tpu.dot_dimension_numbers<[1], [0], [0], [1], [0, 0, 1, 1], [], []>, transpose_lhs_hint = false} : vector<256x1024xf32>, vector<1024x4096xf32>, vector<256x4096xf32> -> vector<256x4096xf32>
    %slice3A = vector.extract_strided_slice %dot_general3A_23 {offsets = [0, 0], sizes = [256, 2048], strides = [1, 1]} : vector<256x4096xf32> to vector<256x2048xf32>
    %slice3A_24 = vector.extract_strided_slice %dot_general3A_23 {offsets = [0, 2048], sizes = [256, 2048], strides = [1, 1]} : vector<256x4096xf32> to vector<256x2048xf32>
    %logistic3A = arith.negf %slice3A : vector<256x2048xf32>
    %logistic3A_25 = math.exp %logistic3A : vector<256x2048xf32>
    %logistic3A_26 = arith.constant 1.000000e+00 : f32
    %logistic3A_27 = vector.broadcast %logistic3A_26 : f32 to vector<256x2048xf32>
    %logistic3A_28 = arith.addf %logistic3A_27, %logistic3A_25 : vector<256x2048xf32>
    %logistic3A_29 = arith.divf %logistic3A_27, %logistic3A_28 : vector<256x2048xf32>
    %mul3A_30 = arith.mulf %slice3A, %logistic3A_29 : vector<256x2048xf32>
    %mul3A_31 = arith.mulf %mul3A_30, %slice3A_24 : vector<256x2048xf32>
    %get3A_32 = arith.constant 0 : index
    %get3A_33 = arith.constant 0 : index
    %get3A_34 = arith.constant 0 : index
    %get3A_35 = vector.load %arg6[%get3A_32, %get3A_33, %get3A_34] : memref<1x2048x1024xf32, #tpu.memory_space<vmem>>, vector<1x2048x1024xf32>
    %get3A_36 = vector.shape_cast %get3A_35 : vector<1x2048x1024xf32> to vector<2048x1024xf32>
    %dot_general3A_37 = arith.constant dense<0.000000e+00> : vector<256x1024xf32>
    %dot_general3A_38 = tpu.matmul %mul3A_31, %get3A_36, %dot_general3A_37 {dimension_numbers = #tpu.dot_dimension_numbers<[1], [0], [0], [1], [0, 0, 1, 1], [], []>, transpose_lhs_hint = false} : vector<256x2048xf32>, vector<2048x1024xf32>, vector<256x1024xf32> -> vector<256x1024xf32>
    %iota3A = tpu.iota {dimensions = array<i32: 0>} : vector<256x1xi32>
    %ge3A = vector.broadcast %min3A : i32 to vector<256x1xi32>
    %ge3A_39 = arith.cmpi sge, %iota3A, %ge3A : vector<256x1xi32>
    %lt3A = vector.broadcast %min3A_14 : i32 to vector<256x1xi32>
    %lt3A_40 = arith.cmpi slt, %iota3A, %lt3A : vector<256x1xi32>
    %and3A = arith.andi %ge3A_39, %lt3A_40 : vector<256x1xi1>
    %eq3A = arith.constant 0 : i32
    %eq3A_41 = arith.cmpi eq, %arg0, %eq3A : i32
    %sub3A_42 = arith.constant 1 : i32
    %sub3A_43 = arith.subi %arg0, %sub3A_42 : i32
    %max3A_44 = arith.constant 0 : i32
    %max3A_45 = arith.maxsi %sub3A_43, %max3A_44 : i32
    %get3A_46 = arith.index_cast %max3A_45 : i32 to index
    %get3A_47 = memref.load %arg2[%get3A_46] : memref<32xi32, #tpu.memory_space<smem>>
    %ne3A = arith.cmpi ne, %get3A_47, %get3A_2 : i32
    %or3A = arith.ori %eq3A_41, %ne3A : i1
    %convert_element_type3A = arith.extui %or3A : i1 to i32
    %cond3A = arith.constant 0 : i32
    %cond3A_48 = arith.cmpi ne, %convert_element_type3A, %cond3A : i32
    scf.if %cond3A_48 {
      %jit3A_53 = arith.constant 0.000000e+00 : f32
      %broadcast_in_dim3A = vector.shape_cast %and3A : vector<256x1xi1> to vector<256x1xi1>
      %broadcast_in_dim3A_54 = vector.broadcast %broadcast_in_dim3A : vector<256x1xi1> to vector<256x1024xi1>
      %broadcast_in_dim3A_55 = vector.broadcast %jit3A_53 : f32 to vector<256x1024xf32>
      %select_n3A = arith.select %broadcast_in_dim3A_54, %dot_general3A_38, %broadcast_in_dim3A_55 : vector<256x1024xi1>, vector<256x1024xf32>
      %swap3A = arith.constant 0 : index
      %swap3A_56 = arith.constant 0 : index
      %swap3A_57 = vector.load %arg7[%swap3A, %swap3A_56] : memref<256x1024xf32, #tpu.memory_space<vmem>>, vector<256x1024xf32>
      tpu.vector_store %arg7[%swap3A, %swap3A_56], %select_n3A {strides = array<i32>} : memref<256x1024xf32, #tpu.memory_space<vmem>>, vector<256x1024xf32>,
    } else {
    }
    %not3A = arith.constant true
    %not3A_49 = arith.xori %or3A, %not3A : i1
    %convert_element_type3A_50 = arith.extui %not3A_49 : i1 to i32
    %cond3A_51 = arith.constant 0 : i32
    %cond3A_52 = arith.cmpi ne, %convert_element_type3A_50, %cond3A_51 : i32
    scf.if %cond3A_52 {
      %get3A_53 = arith.constant 0 : index
      %get3A_54 = arith.constant 0 : index
      %get3A_55 = vector.load %arg7[%get3A_53, %get3A_54] : memref<256x1024xf32, #tpu.memory_space<vmem>>, vector<256x1024xf32>
      %broadcast_in_dim3A = vector.shape_cast %and3A : vector<256x1xi1> to vector<256x1xi1>
      %broadcast_in_dim3A_56 = vector.broadcast %broadcast_in_dim3A : vector<256x1xi1> to vector<256x1024xi1>
      %select_n3A = arith.select %broadcast_in_dim3A_56, %dot_general3A_38, %get3A_55 : vector<256x1024xi1>, vector<256x1024xf32>
      %swap3A = arith.constant 0 : index
      %swap3A_57 = arith.constant 0 : index
      %swap3A_58 = vector.load %arg7[%swap3A, %swap3A_57] : memref<256x1024xf32, #tpu.memory_space<vmem>>, vector<256x1024xf32>
      tpu.vector_store %arg7[%swap3A, %swap3A_57], %select_n3A {strides = array<i32>} : memref<256x1024xf32, #tpu.memory_space<vmem>>, vector<256x1024xf32>,
    } else {
    }
    return
  }
  func.func @transform_0(%arg0: i32, %arg1: memref<32xi32, #tpu.memory_space<smem>>, %arg2: memref<32xi32, #tpu.memory_space<smem>>, %arg3: memref<16xi32, #tpu.memory_space<smem>>) -> (i32, i32) {
    %get3A = arith.index_cast %arg0 : i32 to index
    %get3A_0 = memref.load %arg2[%get3A] : memref<32xi32, #tpu.memory_space<smem>>
    %c0_i32 = arith.constant 0 : i32
    %c0_i32_1 = arith.constant 0 : i32
    return %get3A_0, %c0_i32 : i32, i32
  }
  func.func @transform_1(%arg0: i32, %arg1: memref<32xi32, #tpu.memory_space<smem>>, %arg2: memref<32xi32, #tpu.memory_space<smem>>, %arg3: memref<16xi32, #tpu.memory_space<smem>>) -> (i32, i32, i32) {
    %get3A = arith.index_cast %arg0 : i32 to index
    %get3A_0 = memref.load %arg1[%get3A] : memref<32xi32, #tpu.memory_space<smem>>
    %c0_i32 = arith.constant 0 : i32
    %c0_i32_1 = arith.constant 0 : i32
    %c0_i32_2 = arith.constant 0 : i32
    return %get3A_0, %c0_i32, %c0_i32_1 : i32, i32, i32
  }
  func.func @transform_2(%arg0: i32, %arg1: memref<32xi32, #tpu.memory_space<smem>>, %arg2: memref<32xi32, #tpu.memory_space<smem>>, %arg3: memref<16xi32, #tpu.memory_space<smem>>) -> (i32, i32, i32) {
    %get3A = arith.index_cast %arg0 : i32 to index
    %get3A_0 = memref.load %arg1[%get3A] : memref<32xi32, #tpu.memory_space<smem>>
    %c0_i32 = arith.constant 0 : i32
    %c0_i32_1 = arith.constant 0 : i32
    %c0_i32_2 = arith.constant 0 : i32
    return %get3A_0, %c0_i32, %c0_i32_1 : i32, i32, i32
  }
  func.func @transform_3(%arg0: i32, %arg1: memref<32xi32, #tpu.memory_space<smem>>, %arg2: memref<32xi32, #tpu.memory_space<smem>>, %arg3: memref<16xi32, #tpu.memory_space<smem>>) -> (i32, i32) {
    %get3A = arith.index_cast %arg0 : i32 to index
    %get3A_0 = memref.load %arg2[%get3A] : memref<32xi32, #tpu.memory_space<smem>>
    %c0_i32 = arith.constant 0 : i32
    %c0_i32_1 = arith.constant 0 : i32
    return %get3A_0, %c0_i32 : i32, i32
  }
}

</mosaic_0001>

<sc_bundles>
// kernel: kernel.4.cloned.1.call-start
scs
__scs_entry_jumppad:
0x0: {  	(pc) =	sbr.rel $0x88, $3  }
0x1: {  	(tag) =	ssettag $0x0;
	lr =	simm.s32 $0x1  }
0x2: {  	[smem:$0x3F9D] =	sst lr;
	_ =	strace $0xD0000000  }
0x3: {  	_ = 	snop  }
0x4: {  	_ = 	snop  }
0x5: {  	_ = 	snop  }
0x6: {  	_ = 	snop  }
0x7: {  	_ = 	snop  }
__scs_overlays_trampoline_lowered:
0x8: {  	[smem:$0x3FAC] =	sst s0  }
0x9: {  	[smem:$0x3FAD] =	sst s1  }
0xa: {  	[smem:$0x3FAE] =	sst s2  }
0xb: {  	[smem:$0x3FAF] =	sst s3  }
0xc: {  	[smem:$0x3FB0] =	sst s4  }
0xd: {  	[smem:$0x3FB1] =	sst s5  }
0xe: {  	[smem:$0x3FB2] =	sst s6  }
0xf: {  	[smem:$0x3FB3] =	sst s7  }
0x10: {  	[smem:$0x3FB4] =	sst s8  }
0x11: {  	[smem:$0x3FB5] =	sst s9;
	s0 =	simm.s32 @!p0 $0x0  }
0x12: {  	s1 =	sld [smem:$0x3F9B];
	s0 =	simm.s32 @p0 $0x1  }
0x13: {  	[smem:$0x3FB6] =	sst s0;
	s0 =	simm.s32 @!p1 $0x0  }
0x14: {  	s2 =	sld [smem:$0x3F9A];
	s0 =	simm.s32 @p1 $0x1  }
0x15: {  	[smem:$0x3FB7] =	sst s0;
	s0 =	simm.s32 @!p2 $0x0  }
0x16: {  	s3 =	sld [smem:$0x3FDB];
	s0 =	simm.s32 @p2 $0x1  }
0x17: {  	s4 =	simm.s32 $0x1BF5;
	[smem:$0x3FB9] =	sst s0  }
0x18: {  	s0 =	sld [smem:$0x3F9C];
	_ =	swait.ge [sflag:s4], $0x0  }
0x19: {  	s7 =	sld [smem:$0x3F9D]  }
0x1a: {  	s8 =	sadd.s32 $0xFFFFE003, lr  }
0x1b: {  	s9 =	sadd.s32 $0xFFFFFEF7, lr;
	s5 =	simm.s32 $0xFFFFFFFF;
	p2 =	slt.u32 s8, $0xFFFFF086  }
0x1c: {  	p1 =	slt.u32 s9, $0xF7A;
	s5 =	simm.s32 @!p2 $0x0  }
0x1d: {  	s5 =	simm.s32 @p1 $0x1;
	p0 =	seq.s32 s7, s2  }
0x1e: {  	s7 =	smul.u32 @!p0 $0xF7A, s2;
	p2 =	seq.s32 @!p0 s5, $0x0  }
0x1f: {  	s9 =	smul.u32 $0xF7A, s1;
	s8 =	simm.s32 @!p0 $0x1BF5;
	p2 =	por !p2, p0  }
0x20: {  	[sflag:s8] =	ssyncset.s32 @!p0 $0xFFFFF086;
	s6 =	sadd.s32 @!p0 s3, s7;
	s7 =	simm.s32 @!p0 $0x108  }
0x21: {  	s3 =	sadd.s32 s3, s9;
	s6 =	sadd.s32 @!p0 $0x88, s6;
	s7 =	simm.s32 @p2 $0x1082  }
0x22: {  	[simem:s7], [sflag:s8] =	dma.local @!p0 [hbm:s6], $0xF7A  }
0x23: {  	s9 =	sor.u32 $0xD0000000, s2;
	s6 =	simm.s32 $0x108;
	_ =	swait.ge @!p0 [sflag:s8], $0x0  }
0x24: {  	s3 =	sadd.s32 $0x88, s3;
	s6 =	simm.s32 @!p1 $0x1082;
	[sflag:s4] =	ssyncset.s32 $0xFFFFF086  }
0x25: {  	[simem:s6], [sflag:s4] =	dma.local [hbm:s3], $0xF7A  }
0x26: {  	[smem:$0x3F9D] =	sst s1;
	(tag) =	ssettag s2;
	_ =	strace s9  }
0x27: {  	s1 =	sld [smem:$0x3FAD]  }
0x28: {  	s2 =	sld [smem:$0x3FAE]  }
0x29: {  	s4 =	sld [smem:$0x3FB0]  }
0x2a: {  	p0 =	seq.s32 s5, $0x0;
	s5 =	sld [smem:$0x3FB1]  }
0x2b: {  	s6 =	sld [smem:$0x3FB2]  }
0x2c: {  	s7 =	sld [smem:$0x3FB3]  }
0x2d: {  	s3 =	simm.s32 $0x108;
	s8 =	sld [smem:$0x3FB4]  }
0x2e: {  	s3 =	simm.s32 @!p0 $0x1082;
	s9 =	sld [smem:$0x3FB5]  }
0x2f: {  	lr =	sadd.s32 s0, s3;
	s0 =	sld [smem:$0x3FAC]  }
0x30: {  	s3 =	sld [smem:$0x3FAF]  }
0x31: {  	[smem:$0x3FB8] =	sst s10  }
0x32: {  	s10 =	sld [smem:$0x3FB6];
	_ =	sdelay $0x3  }
0x33: {  	p0 =	seq.s32 s10, $0x1;
	s10 =	sld [smem:$0x3FB8];
	_ =	sdelay $0x3  }
0x34: {  	[smem:$0x3FB8] =	sst s10  }
0x35: {  	s10 =	sld [smem:$0x3FB7];
	_ =	sdelay $0x3  }
0x36: {  	p1 =	seq.s32 s10, $0x1;
	s10 =	sld [smem:$0x3FB8];
	_ =	sdelay $0x3  }
0x37: {  	[smem:$0x3FB8] =	sst s10  }
0x38: {  	s10 =	sld [smem:$0x3FB9]  }
0x39: {  	_ = 	snop;
	(pc) =	sbr.ind lr, $3  }
0x3a: {  	_ = 	snop  }
0x3b: {  	_ = 	snop  }
0x3c: {  	p2 =	seq.s32 s10, $0x1;
	s10 =	sld [smem:$0x3FB8]  }
0x3d: {  	_ =	shalt  }
0x3e: {  	_ =	shalt  }
0x3f: {  	_ =	shalt  }
0x40: {  	_ =	shalt  }
0x41: {  	_ =	shalt  }
0x42: {  	_ =	shalt  }
0x43: {  	_ =	shalt  }
0x44: {  	_ =	shalt  }
0x45: {  	_ =	shalt  }
0x46: {  	_ =	shalt  }
0x47: {  	_ =	shalt  }
0x48: {  	_ =	shalt  }
0x49: {  	_ =	shalt  }
0x4a: {  	_ =	shalt  }
0x4b: {  	_ =	shalt  }
0x4c: {  	_ =	shalt  }
0x4d: {  	_ =	shalt  }
0x4e: {  	_ =	shalt  }
0x4f: {  	_ =	shalt  }
0x50: {  	_ =	shalt  }
0x51: {  	_ =	shalt  }
0x52: {  	_ =	shalt  }
0x53: {  	_ =	shalt  }
0x54: {  	_ =	shalt  }
0x55: {  	_ =	shalt  }
0x56: {  	_ =	shalt  }
0x57: {  	_ =	shalt  }
0x58: {  	_ =	shalt  }
0x59: {  	_ =	shalt  }
0x5a: {  	_ =	shalt  }
0x5b: {  	_ =	shalt  }
0x5c: {  	_ =	shalt  }
0x5d: {  	_ =	shalt  }
0x5e: {  	_ =	shalt  }
0x5f: {  	_ =	shalt  }
0x60: {  	_ =	shalt  }
0x61: {  	_ =	shalt  }
0x62: {  	_ =	shalt  }
0x63: {  	_ =	shalt  }
0x64: {  	_ =	shalt  }
0x65: {  	_ =	shalt  }
0x66: {  	_ =	shalt  }
0x67: {  	_ =	shalt  }
0x68: {  	_ =	shalt  }
0x69: {  	_ =	shalt  }
0x6a: {  	_ =	shalt  }
0x6b: {  	_ =	shalt  }
0x6c: {  	_ =	shalt  }
0x6d: {  	_ =	shalt  }
0x6e: {  	_ =	shalt  }
0x6f: {  	_ =	shalt  }
0x70: {  	_ =	shalt  }
0x71: {  	_ =	shalt  }
0x72: {  	_ =	shalt  }
0x73: {  	_ =	shalt  }
0x74: {  	_ =	shalt  }
0x75: {  	_ =	shalt  }
0x76: {  	_ =	shalt  }
0x77: {  	_ =	shalt  }
0x78: {  	_ =	shalt  }
0x79: {  	_ =	shalt  }
0x7a: {  	_ =	shalt  }
0x7b: {  	_ =	shalt  }
0x7c: {  	_ =	shalt  }
0x7d: {  	_ =	shalt  }
0x7e: {  	_ =	shalt  }
0x7f: {  	_ =	shalt  }
0x80: {  	_ =	shalt  }
0x81: {  	_ =	shalt  }
0x82: {  	_ =	shalt  }
0x83: {  	_ =	shalt  }
0x84: {  	_ =	shalt  }
0x85: {  	_ =	shalt  }
0x86: {  	_ =	shalt  }
0x87: {  	_ =	shalt  }
.Lfunc_end0:
.L_simem_size_0:
called_computation_lowered:
.L_overlay_start_0:
0x88: {  	s2 =	sld [smem:$0x3FD9]  }
0x89: {  	s3 =	sld [smem:$0x3FFE];
	_ =	sdelay $0x1  }
0x8a: {  	s1 =	srdreg.scid  }
0x8b: {  	s0 =	sand.u32 $0x1, s1  }
0x8c: {  	s17 =	sshll.u32 s0, $0xA;
	s2 =	sadd.s32 s3, s2  }
0x8d: {  	s2 =	sadd.s32 s2, s17  }
0x8e: {  	[smem:$0x3FC4] =	sst s2  }
0x8f: {  	_ = 	snop  }
0x90: {  	s2 =	sld [smem:$0x3FC9]  }
0x91: {  	s18 =	sld [smem:$0x3FD0];
	(tm) =	ssettm $0x1  }
0x92: {  	s4 =	sld [smem:$0x3FFB];
	_ =	sdelay $0x3  }
0x93: {  	_ =	strace s4  }
0x94: {  	s4 =	sld [smem:$0x3FFC];
	_ =	sdelay $0x3  }
0x95: {  	_ =	strace s4  }
0x96: {  	s4 =	sld [smem:$0x3FFD];
	_ =	sdelay $0x3  }
0x97: {  	_ =	strace s4  }
0x98: {  	_ =	strace $0x8FFFFFFF  }
0x99: {  	s19 =	sld [smem:$0x3FDB];
	_ =	sdelay $0x1  }
0x9a: {  	s5 =	simm.s32 $_scs_section_size  }
0x9b: {  	s6 =	simm.s32 $_size__tile_overlayer_lowered;
	s7 =	simm.s32 $_tile_overlayer_lowered  }
0x9c: {  	s22 =	simm.s32 $0x1BFF;
	s21 =	sshll.u32 s7, $0x1;
	s4 =	sadd.s32 s5, s19  }
0x9d: {  	s8 =	simm.s32 $0x0;
	s20 =	sshll.u32 s6, $0x1;
	s6 =	sadd.s32 s21, s4  }
0x9e: {  	[timem:s8], [sflag:s22] =	dma.local [hbm:s6], s20  }
0x9f: {  	_ =	swait.ge [sflag:s22], s20  }
0xa0: {  	s5 =	ssub.s32 $0x0, s20;
	[sflag:s22] =	ssyncset.done $0x0  }
0xa1: {  	[sflag:s22] =	ssyncadd.s32 s5;
	_ =	sdelay $0x1  }
0xa2: {  	s23 =	simm.s32 $0x1B8B  }
0xa3: {  	_ =	swait.ge [sflag:s23], $0x1  }
0xa4: {  	[sflag:s23] =	ssyncset.done $0x0  }
0xa5: {  	s25 =	simm.s32 $0x1B8E;
	s24 =	sld [smem:$0x3FFE];
	[sflag:s23] =	ssyncadd.s32 $0xFFFFFFFF  }
0xa6: {  	s26 =	simm.s32 $execute0_lowered;
	[smem:$0x3FD2] =	sst s25  }
0xa7: {  	s6 =	sshll.u32 s26, $0x1;
	_ =	strace $0x80000046;
	[dreg:$0x1] =	wrdreg $0xFFFFFFFF  }
0xa8: {  	s28 =	simm.s32 $_size_execute0_lowered;
	s4 =	sadd.s32 s4, s6;
	[dreg:$0x0] =	wrdreg $0x0  }
0xa9: {  	s6 =	sshll.u32 s28, $0x1;
	[dreg:$0x2] =	wrdreg s4  }
0xaa: {  	[dreg:$0x3] =	wrdreg s6  }
0xab: {  	[dreg:$0x4] =	wrdreg $0xC0  }
0xac: {  	_ =	task [dreg:s8], $0x5FFFF  }
0xad: {  	[dreg:$0x1] =	wrdreg $0xFFFFFFFF  }
0xae: {  	[dreg:$0x0] =	wrdreg $0x60  }
0xaf: {  	[dreg:$0x2] =	wrdreg s18  }
0xb0: {  	[dreg:$0x3] =	wrdreg s2  }
0xb1: {  	[dreg:$0x4] =	wrdreg s24  }
0xb2: {  	[dreg:$0x5] =	wrdreg $0x9  }
0xb3: {  	_ =	task.clear_ibuf [dreg:s8], $0x6FFFF;
	_ =	strace $0x90000046  }
0xb4: {  	s29 =	simm.s32 $0x9;
	_ =	strace $0x80000048  }
0xb5: {  	_ =	swait.ge [sflag:s29], $0x1  }
0xb6: {  	[sflag:s29] =	ssyncadd.s32 $0xFFFFFFFF  }
0xb7: {  	_ =	strace $0x90000048  }
0xb8: {  	_ =	sfence  }
0xb9: {  	s30 =	sld [smem:$0x0];
	_ =	sdelay $0x2  }
0xba: {  	s31 =	sshll.u32 s1, $0xD;
	s1 =	sshrl.u32 s1, $0x2  }
0xbb: {  	s3 =	sand.u32 $0x4000, s31;
	s1 =	sadd.s32 s1, s30  }
0xbc: {  	s0 =	sor.u32 s3, s0;
	s1 =	sshll.u32 s1, $0x11  }
0xbd: {  	s0 =	sor.u32 s1, s0  }
0xbe: {  	s0 =	sadd.s32 $0x8F2B, s0  }
0xbf: {  	[sflag:s0] =	ssyncadd.remote.s32 $0x1  }
0xc0: {  	_ =	sfence.sel $0xFFFF  }
0xc1: {  	[dreg:$0x0] =	wrdreg $0xFFFFFFFF;
	(pc) =	sbr.abs _section_cstart, $3  }
0xc2: {  	[dreg:$0x1] =	wrdreg $0xFFFFFFFF  }
0xc3: {  	_ =	task.clear_ibuf [dreg:s8], $0x2FFFF;
	_ =	strace $0x9FFFFFFF  }
0xc4: {  	(tm) =	ssettm $0x7FFFFFFF  }
0xc5: {  	_ =	shalt  }
tec
execute0_lowered:
.L_overlay_start_1:
0x0: {  	(tag) =	ssettag $0x1  }
0x1: {  	s16 =	rddreg [dreg:$0x1]  }
0x2: {  	s0 =	rddreg [dreg:$0x2];
	s1 =	srdreg.scid  }
0x3: {  	s2 =	stileid.u32;
	s4 =	simm.s32 $0x0;
	s21 =	simm.s32 $0x1000  }
0x4: {  	s1 =	sand.u32 $0x1, s1;
	s2 =	sshll.u32 s2, $0x1;
	[smem:$0x7FF] =	sst s4  }
0x5: {  	s3 =	sadd.s32 $0x80800, s0;
	s24 =	sadd.s32 $0x80A00, s0;
	s10 =	sadd.s32 $0x100, s16  }
0x6: {  	s11 =	sadd.s32 $0x200, s16;
	s12 =	sadd.s32 $0x300, s16;
	s2 =	sor.u32 s1, s2  }
0x7: {  	_ =	strace $0x80000047;
	[dreg:$0x4] =	wrdreg s3;
	s1 =	ssub.s32 $0x2, s1  }
0x8: {  	[dreg:$0x5] =	wrdreg s24;
	s5 =	sshll.u32 s2, $0xE;
	s25 =	sshll.u32 s2, $0x7  }
0x9: {  	s5 =	sadd.s32 s5, s0;
	s0 =	sadd.s32 $0x80C00, s0;
	[dreg:$0x6] =	wrdreg s25  }
0xa: {  	s6 =	sshrl.u32 s1, $0x1;
	[dreg:$0x7] =	wrdreg s0;
	s28 =	sadd.s32 $0x800, s5  }
.Ltmp0:
0xb: {  	s29 =	sadd.s32 $0x1800, s5;
	[dreg:$0xb] =	wrdreg s28;
	(pc) =	sbr.rel .LBB2_1-.Ltmp0, $4  }
0xc: {  	v3 =	vlaneseq.u32;
	p2 =	sne.s32 s2, $0x0;
	s30 =	sadd.s32 $0x2800, s5;
	[dreg:$0x8] =	wrdreg s29  }
0xd: {  	v2 =	vimm.s32 $0x0;
	vm0 =	vcmask $0x704;
	v4 =	vor.u32 $0x10, v3;
	s26 =	ssub.s32 s1, s6;
	s31 =	sadd.s32 $0x3800, s5;
	[dreg:$0xc] =	wrdreg s30  }
0xe: {  	v6 =	vshrl.u32 v3, $0x3;
	v5 =	vand.u32 $0x7, v3;
	v7 =	vor.u32 $0x8, v3;
	s9 =	sadd.s32 $0x80, s25;
	s0 =	smax.u32 s26, $0x1;
	[dreg:$0x9] =	wrdreg s31  }
0xf: {  	v6 =	vmul.u32 $0x8, v6;
	s2 =	simm.s32 $0x0;
	s1 =	simm.s32 $0x3;
	v0 =	vmov s25;
	v1 =	vmov s9;
	[dreg:$0xa] =	wrdreg s0  }
.LBB2_22:
0x10: {  	v8 =	vld [tilespmem:$0x1000];
	_ =	sdelay $0x1  }
0x11: {  	v9 =	vld [tilespmem:$0x1010]  }
0x12: {  	v10 =	vld [tilespmem:$0x1020]  }
0x13: {  	v11 =	vld [tilespmem:$0x1030]  }
0x14: {  	v13 =	vld [tilespmem:$0x1040];
	v12 =	vshrl.u32 v8, $0x1;
	v8 =	vshll.u32 v8, $0x2  }
0x15: {  	v14 =	vld [tilespmem:$0x1050];
	v15 =	vand.u32 $0x7, v12;
	v8 =	vand.u32 $0xFFFFFFC0, v8  }
0x16: {  	v48 =	vld [tilespmem:$0x1060];
	v9 =	vshrl.u32 v9, $0x1;
	[tilespmem:$0x1080] =	vst v12;
	v8 =	vor.u32 v15, v8  }
0x17: {  	v50 =	vld [tilespmem:$0x1070];
	v49 =	vshrl.u32 v10, $0x1;
	[tilespmem:$0x1090] =	vst v9;
	v15 =	vperm.xlane v8, v5  }
0x18: {  	v51 =	vshrl.u32 v11, $0x1;
	[tilespmem:$0x10A0] =	vst v49  }
0x19: {  	v52 =	vshrl.u32 v13, $0x1;
	[tilespmem:$0x10B0] =	vst v51;
	v53 =	vadd.s32 v6, v15  }
0x1a: {  	v54 =	vshrl.u32 v14, $0x1;
	[tilespmem:$0x10C0] =	vst v52  }
0x1b: {  	v55 =	vshrl.u32 v48, $0x1;
	[tilespmem:$0x10D0] =	vst v54  }
0x1c: {  	v56 =	vshrl.u32 v50, $0x1;
	[tilespmem:$0x10E0] =	vst v55  }
0x1d: {  	vm1 =	vmmov $0xffff;
	s7 =	simm.s32 $0x1100;
	[tilespmem:$0x10F0] =	vst v56  }
0x1e: {  	[tilespmem:s7], [sflag:$0x1] =	stream.indirect_vreg.gather [hbm4b:s16+s4], $0x80, v53, vm1, $0xb8;
	[tilespmem:$0x11180] =	vst v63  }
0x1f: {  	s2 =	simm.s32 $0x1900;
	v8 =	vperm.xlane v8, v7  }
0x20: {  	[tilespmem:s2], [sflag:$0x1] =	stream.indirect_vreg.gather [hbm4b:s10+s4], $0x80, v53, vm1, $0xb8;
	[tilespmem:$0x11180] =	vst v63  }
0x21: {  	s3 =	simm.s32 $0x2100;
	v8 =	vadd.s32 v6, v8  }
0x22: {  	[tilespmem:s3], [sflag:$0x1] =	stream.indirect_vreg.gather [hbm4b:s11+s4], $0x80, v53, vm1, $0xb8;
	[tilespmem:$0x11180] =	vst v63  }
0x23: {  	s5 =	simm.s32 $0x2900  }
0x24: {  	[tilespmem:s5], [sflag:$0x1] =	stream.indirect_vreg.gather [hbm4b:s12+s4], $0x80, v53, vm1, $0xb8;
	[tilespmem:$0x11180] =	vst v63  }
0x25: {  	s6 =	simm.s32 $0x3100  }
0x26: {  	[tilespmem:s6], [sflag:$0x1] =	stream.indirect_vreg.gather [hbm4b:s16+s4], $0x80, v8, vm1, $0xb8;
	[tilespmem:$0x11180] =	vst v63  }
0x27: {  	s8 =	simm.s32 $0x3900  }
0x28: {  	[tilespmem:s8], [sflag:$0x1] =	stream.indirect_vreg.gather [hbm4b:s10+s4], $0x80, v8, vm1, $0xb8;
	[tilespmem:$0x11180] =	vst v63  }
0x29: {  	s13 =	simm.s32 $0x4100  }
0x2a: {  	[tilespmem:s13], [sflag:$0x1] =	stream.indirect_vreg.gather [hbm4b:s11+s4], $0x80, v8, vm1, $0xb8;
	[tilespmem:$0x11180] =	vst v63  }
0x2b: {  	s14 =	simm.s32 $0x4900  }
0x2c: {  	[tilespmem:s14], [sflag:$0x1] =	stream.indirect_vreg.gather [hbm4b:s12+s4], $0x80, v8, vm1, $0xb8;
	[tilespmem:$0x11180] =	vst v63  }
0x2d: {  	v8 =	vld [tilespmem:$0x1090];
	_ =	sdelay $0x4  }
0x2e: {  	v57 =	vshll.u32 v8, $0x3  }
0x2f: {  	v8 =	vand.u32 $0x7, v8;
	v9 =	vand.u32 $0xFFFFFFC0, v57  }
0x30: {  	v8 =	vor.u32 v8, v9  }
0x31: {  	v9 =	vperm.xlane v8, v5;
	_ =	sdelay $0x1  }
0x32: {  	v9 =	vadd.s32 v6, v9;
	_ =	sdelay $0x3  }
0x33: {  	s15 =	simm.s32 $0x5100  }
0x34: {  	[tilespmem:s15], [sflag:$0x1] =	stream.indirect_vreg.gather [hbm4b:s16+s4], $0x80, v9, vm1, $0xb8;
	[tilespmem:$0x11180] =	vst v63  }
0x35: {  	s17 =	simm.s32 $0x5900;
	v8 =	vperm.xlane v8, v7  }
0x36: {  	[tilespmem:s17], [sflag:$0x1] =	stream.indirect_vreg.gather [hbm4b:s10+s4], $0x80, v9, vm1, $0xb8;
	[tilespmem:$0x11180] =	vst v63  }
0x37: {  	s19 =	simm.s32 $0x6100;
	v8 =	vadd.s32 v6, v8  }
0x38: {  	[tilespmem:s19], [sflag:$0x1] =	stream.indirect_vreg.gather [hbm4b:s11+s4], $0x80, v9, vm1, $0xb8;
	[tilespmem:$0x11180] =	vst v63  }
0x39: {  	s20 =	simm.s32 $0x6900  }
0x3a: {  	[tilespmem:s20], [sflag:$0x1] =	stream.indirect_vreg.gather [hbm4b:s12+s4], $0x80, v9, vm1, $0xb8;
	[tilespmem:$0x11180] =	vst v63  }
0x3b: {  	s22 =	simm.s32 $0x7100  }
0x3c: {  	[tilespmem:s22], [sflag:$0x1] =	stream.indirect_vreg.gather [hbm4b:s16+s4], $0x80, v8, vm1, $0xb8;
	[tilespmem:$0x11180] =	vst v63  }
0x3d: {  	s23 =	simm.s32 $0x7900  }
0x3e: {  	[tilespmem:s23], [sflag:$0x1] =	stream.indirect_vreg.gather [hbm4b:s10+s4], $0x80, v8, vm1, $0xb8;
	[tilespmem:$0x11180] =	vst v63  }
0x3f: {  	s24 =	simm.s32 $0x8100  }
0x40: {  	[tilespmem:s24], [sflag:$0x1] =	stream.indirect_vreg.gather [hbm4b:s11+s4], $0x80, v8, vm1, $0xb8;
	[tilespmem:$0x11180] =	vst v63  }
0x41: {  	s25 =	simm.s32 $0x8900  }
0x42: {  	[tilespmem:s25], [sflag:$0x1] =	stream.indirect_vreg.gather [hbm4b:s12+s4], $0x80, v8, vm1, $0xb8;
	[tilespmem:$0x11180] =	vst v63  }
0x43: {  	v8 =	vld [tilespmem:$0x10A0];
	_ =	sdelay $0x4  }
0x44: {  	v58 =	vshll.u32 v8, $0x3  }
0x45: {  	v8 =	vand.u32 $0x7, v8;
	v9 =	vand.u32 $0xFFFFFFC0, v58  }
0x46: {  	v8 =	vor.u32 v8, v9  }
0x47: {  	v9 =	vperm.xlane v8, v5;
	_ =	sdelay $0x1  }
0x48: {  	v9 =	vadd.s32 v6, v9;
	_ =	sdelay $0x3  }
0x49: {  	s26 =	simm.s32 $0x9100  }
0x4a: {  	[tilespmem:s26], [sflag:$0x2] =	stream.indirect_vreg.gather [hbm4b:s16+s4], $0x80, v9, vm1, $0xb8;
	[tilespmem:$0x11180] =	vst v63  }
0x4b: {  	s28 =	simm.s32 $0x9900;
	v8 =	vperm.xlane v8, v7  }
0x4c: {  	[tilespmem:s28], [sflag:$0x2] =	stream.indirect_vreg.gather [hbm4b:s10+s4], $0x80, v9, vm1, $0xb8;
	[tilespmem:$0x11180] =	vst v63  }
0x4d: {  	s31 =	simm.s32 $0xA100;
	v8 =	vadd.s32 v6, v8  }
0x4e: {  	[tilespmem:s31], [sflag:$0x2] =	stream.indirect_vreg.gather [hbm4b:s11+s4], $0x80, v9, vm1, $0xb8;
	[tilespmem:$0x11180] =	vst v63  }
0x4f: {  	s18 =	simm.s32 $0xA900  }
0x50: {  	[tilespmem:s18], [sflag:$0x2] =	stream.indirect_vreg.gather [hbm4b:s12+s4], $0x80, v9, vm1, $0xb8;
	[tilespmem:$0x11180] =	vst v63  }
0x51: {  	s30 =	simm.s32 $0xB100  }
0x52: {  	[tilespmem:s30], [sflag:$0x2] =	stream.indirect_vreg.gather [hbm4b:s16+s4], $0x80, v8, vm1, $0xb8;
	[tilespmem:$0x11180] =	vst v63  }
0x53: {  	s29 =	simm.s32 $0xB900  }
0x54: {  	[tilespmem:s29], [sflag:$0x2] =	stream.indirect_vreg.gather [hbm4b:s10+s4], $0x80, v8, vm1, $0xb8;
	[tilespmem:$0x11180] =	vst v63  }
0x55: {  	s0 =	simm.s32 $0xC100  }
0x56: {  	[tilespmem:s0], [sflag:$0x2] =	stream.indirect_vreg.gather [hbm4b:s11+s4], $0x80, v8, vm1, $0xb8;
	[tilespmem:$0x11180] =	vst v63  }
0x57: {  	s1 =	simm.s32 $0xC900  }
0x58: {  	[tilespmem:s1], [sflag:$0x2] =	stream.indirect_vreg.gather [hbm4b:s12+s4], $0x80, v8, vm1, $0xb8;
	[tilespmem:$0x11180] =	vst v63  }
0x59: {  	v8 =	vld [tilespmem:$0x10B0];
	_ =	sdelay $0x4  }
0x5a: {  	v59 =	vshll.u32 v8, $0x3  }
0x5b: {  	v8 =	vand.u32 $0x7, v8;
	v9 =	vand.u32 $0xFFFFFFC0, v59  }
0x5c: {  	v8 =	vor.u32 v8, v9  }
0x5d: {  	v9 =	vperm.xlane v8, v5;
	_ =	sdelay $0x1  }
0x5e: {  	v9 =	vadd.s32 v6, v9;
	_ =	sdelay $0x3  }
0x5f: {  	s1 =	simm.s32 $0xD100  }
0x60: {  	[tilespmem:s1], [sflag:$0x2] =	stream.indirect_vreg.gather [hbm4b:s16+s4], $0x80, v9, vm1, $0xb8;
	[tilespmem:$0x11180] =	vst v63  }
0x61: {  	v8 =	vperm.xlane v8, v7;
	s1 =	simm.s32 $0xD900  }
0x62: {  	[tilespmem:s1], [sflag:$0x2] =	stream.indirect_vreg.gather [hbm4b:s10+s4], $0x80, v9, vm1, $0xb8;
	[tilespmem:$0x11180] =	vst v63  }
0x63: {  	v8 =	vadd.s32 v6, v8;
	s1 =	simm.s32 $0xE100  }
0x64: {  	[tilespmem:s1], [sflag:$0x2] =	stream.indirect_vreg.gather [hbm4b:s11+s4], $0x80, v9, vm1, $0xb8;
	[tilespmem:$0x11180] =	vst v63  }
0x65: {  	s1 =	simm.s32 $0xE900  }
0x66: {  	[tilespmem:s1], [sflag:$0x2] =	stream.indirect_vreg.gather [hbm4b:s12+s4], $0x80, v9, vm1, $0xb8;
	[tilespmem:$0x11180] =	vst v63  }
0x67: {  	s1 =	simm.s32 $0xF100  }
0x68: {  	[tilespmem:s1], [sflag:$0x2] =	stream.indirect_vreg.gather [hbm4b:s16+s4], $0x80, v8, vm1, $0xb8;
	[tilespmem:$0x11180] =	vst v63  }
0x69: {  	s1 =	simm.s32 $0xF900  }
0x6a: {  	[tilespmem:s1], [sflag:$0x2] =	stream.indirect_vreg.gather [hbm4b:s10+s4], $0x80, v8, vm1, $0xb8;
	[tilespmem:$0x11180] =	vst v63  }
0x6b: {  	s1 =	simm.s32 $0x10100  }
0x6c: {  	[tilespmem:s1], [sflag:$0x2] =	stream.indirect_vreg.gather [hbm4b:s11+s4], $0x80, v8, vm1, $0xb8;
	[tilespmem:$0x11180] =	vst v63  }
0x6d: {  	s0 =	simm.s32 $0x1;
	s1 =	simm.s32 $0x10900  }
0x6e: {  	[tilespmem:s1], [sflag:$0x2] =	stream.indirect_vreg.gather [hbm4b:s12+s4], $0x80, v8, vm1, $0xb8;
	[tilespmem:$0x11180] =	vst v63  }
0x6f: {  	_ =	swait.ge [sflag:s0], $0x8000  }
0x70: {  	[sflag:s0] =	ssyncset.done $0x0  }
0x71: {  	s1 =	rddreg [dreg:$0xb];
	[sflag:s0] =	ssyncadd.s32 $0xFFFF8000  }
0x72: {  	[hbm4b:s1+s4] =	stream.linear.scatter [tilespmem:s7], [sflag:$0x3], $0x8000, $0x38;
	[tilespmem:$0x11180] =	vst v63  }
0x73: {  	s1 =	simm.s32 $0x3  }
0x74: {  	_ =	swait.ge [sflag:s1], $0x8000  }
0x75: {  	[sflag:s1] =	ssyncset.done $0x0  }
0x76: {  	[sflag:s1] =	ssyncadd.s32 $0xFFFF8000  }
0x77: {  	v8 =	vld [tilespmem:$0x10C0];
	_ =	sdelay $0x4  }
0x78: {  	v60 =	vshll.u32 v8, $0x3  }
0x79: {  	v8 =	vand.u32 $0x7, v8;
	v9 =	vand.u32 $0xFFFFFFC0, v60  }
0x7a: {  	v8 =	vor.u32 v8, v9  }
0x7b: {  	v9 =	vperm.xlane v8, v5;
	_ =	sdelay $0x1  }
0x7c: {  	v9 =	vadd.s32 v6, v9;
	_ =	sdelay $0x4  }
0x7d: {  	[tilespmem:s7], [sflag:$0x1] =	stream.indirect_vreg.gather [hbm4b:s16+s4], $0x80, v9, vm1, $0xb8;
	[tilespmem:$0x11180] =	vst v63  }
0x7e: {  	v8 =	vperm.xlane v8, v7  }
0x7f: {  	[tilespmem:s2], [sflag:$0x1] =	stream.indirect_vreg.gather [hbm4b:s10+s4], $0x80, v9, vm1, $0xb8;
	[tilespmem:$0x11180] =	vst v63  }
0x80: {  	v8 =	vadd.s32 v6, v8  }
0x81: {  	[tilespmem:s3], [sflag:$0x1] =	stream.indirect_vreg.gather [hbm4b:s11+s4], $0x80, v9, vm1, $0xb8;
	[tilespmem:$0x11180] =	vst v63  }
0x82: {  	_ = 	snop  }
0x83: {  	[tilespmem:s5], [sflag:$0x1] =	stream.indirect_vreg.gather [hbm4b:s12+s4], $0x80, v9, vm1, $0xb8;
	[tilespmem:$0x11180] =	vst v63  }
0x84: {  	_ = 	snop  }
0x85: {  	[tilespmem:s6], [sflag:$0x1] =	stream.indirect_vreg.gather [hbm4b:s16+s4], $0x80, v8, vm1, $0xb8;
	[tilespmem:$0x11180] =	vst v63  }
0x86: {  	_ = 	snop  }
0x87: {  	[tilespmem:s8], [sflag:$0x1] =	stream.indirect_vreg.gather [hbm4b:s10+s4], $0x80, v8, vm1, $0xb8;
	[tilespmem:$0x11180] =	vst v63  }
0x88: {  	_ = 	snop  }
0x89: {  	[tilespmem:s13], [sflag:$0x1] =	stream.indirect_vreg.gather [hbm4b:s11+s4], $0x80, v8, vm1, $0xb8;
	[tilespmem:$0x11180] =	vst v63  }
0x8a: {  	_ = 	snop  }
0x8b: {  	[tilespmem:s14], [sflag:$0x1] =	stream.indirect_vreg.gather [hbm4b:s12+s4], $0x80, v8, vm1, $0xb8;
	[tilespmem:$0x11180] =	vst v63  }
0x8c: {  	v8 =	vld [tilespmem:$0x10D0];
	_ =	sdelay $0x4  }
0x8d: {  	v61 =	vshll.u32 v8, $0x3  }
0x8e: {  	v8 =	vand.u32 $0x7, v8;
	v9 =	vand.u32 $0xFFFFFFC0, v61  }
0x8f: {  	v8 =	vor.u32 v8, v9  }
0x90: {  	v9 =	vperm.xlane v8, v5;
	_ =	sdelay $0x1  }
0x91: {  	v9 =	vadd.s32 v6, v9;
	_ =	sdelay $0x4  }
0x92: {  	[tilespmem:s15], [sflag:$0x1] =	stream.indirect_vreg.gather [hbm4b:s16+s4], $0x80, v9, vm1, $0xb8;
	[tilespmem:$0x11180] =	vst v63  }
0x93: {  	v8 =	vperm.xlane v8, v7  }
0x94: {  	[tilespmem:s17], [sflag:$0x1] =	stream.indirect_vreg.gather [hbm4b:s10+s4], $0x80, v9, vm1, $0xb8;
	[tilespmem:$0x11180] =	vst v63  }
0x95: {  	v8 =	vadd.s32 v6, v8  }
0x96: {  	[tilespmem:s19], [sflag:$0x1] =	stream.indirect_vreg.gather [hbm4b:s11+s4], $0x80, v9, vm1, $0xb8;
	[tilespmem:$0x11180] =	vst v63  }
0x97: {  	_ = 	snop  }
0x98: {  	[tilespmem:s20], [sflag:$0x1] =	stream.indirect_vreg.gather [hbm4b:s12+s4], $0x80, v9, vm1, $0xb8;
	[tilespmem:$0x11180] =	vst v63  }
0x99: {  	_ = 	snop  }
0x9a: {  	[tilespmem:s22], [sflag:$0x1] =	stream.indirect_vreg.gather [hbm4b:s16+s4], $0x80, v8, vm1, $0xb8;
	[tilespmem:$0x11180] =	vst v63  }
0x9b: {  	_ = 	snop  }
0x9c: {  	[tilespmem:s23], [sflag:$0x1] =	stream.indirect_vreg.gather [hbm4b:s10+s4], $0x80, v8, vm1, $0xb8;
	[tilespmem:$0x11180] =	vst v63  }
0x9d: {  	_ = 	snop  }
0x9e: {  	[tilespmem:s24], [sflag:$0x1] =	stream.indirect_vreg.gather [hbm4b:s11+s4], $0x80, v8, vm1, $0xb8;
	[tilespmem:$0x11180] =	vst v63  }
0x9f: {  	s8 =	simm.s32 $0x2  }
0xa0: {  	[tilespmem:s25], [sflag:$0x1] =	stream.indirect_vreg.gather [hbm4b:s12+s4], $0x80, v8, vm1, $0xb8;
	[tilespmem:$0x11180] =	vst v63  }
0xa1: {  	_ =	swait.ge [sflag:s8], $0x8000  }
0xa2: {  	[sflag:s8] =	ssyncset.done $0x0  }
0xa3: {  	s13 =	rddreg [dreg:$0x8];
	[sflag:s8] =	ssyncadd.s32 $0xFFFF8000  }
0xa4: {  	[hbm4b:s13+s4] =	stream.linear.scatter [tilespmem:s26], [sflag:$0x3], $0x8000, $0x38;
	[tilespmem:$0x11180] =	vst v63  }
0xa5: {  	_ =	swait.ge [sflag:s1], $0x8000  }
0xa6: {  	[sflag:s1] =	ssyncset.done $0x0  }
0xa7: {  	[sflag:s1] =	ssyncadd.s32 $0xFFFF8000  }
0xa8: {  	v8 =	vld [tilespmem:$0x10E0];
	_ =	sdelay $0x4  }
0xa9: {  	v62 =	vshll.u32 v8, $0x3  }
0xaa: {  	v8 =	vand.u32 $0x7, v8;
	v9 =	vand.u32 $0xFFFFFFC0, v62  }
0xab: {  	v8 =	vor.u32 v8, v9  }
0xac: {  	v9 =	vperm.xlane v8, v5;
	_ =	sdelay $0x1  }
0xad: {  	v9 =	vadd.s32 v6, v9;
	_ =	sdelay $0x4  }
0xae: {  	[tilespmem:s26], [sflag:$0x2] =	stream.indirect_vreg.gather [hbm4b:s16+s4], $0x80, v9, vm1, $0xb8;
	[tilespmem:$0x11180] =	vst v63  }
0xaf: {  	v8 =	vperm.xlane v8, v7  }
0xb0: {  	[tilespmem:s28], [sflag:$0x2] =	stream.indirect_vreg.gather [hbm4b:s10+s4], $0x80, v9, vm1, $0xb8;
	[tilespmem:$0x11180] =	vst v63  }
0xb1: {  	v8 =	vadd.s32 v6, v8  }
0xb2: {  	[tilespmem:s31], [sflag:$0x2] =	stream.indirect_vreg.gather [hbm4b:s11+s4], $0x80, v9, vm1, $0xb8;
	[tilespmem:$0x11180] =	vst v63  }
0xb3: {  	_ = 	snop  }
0xb4: {  	[tilespmem:s18], [sflag:$0x2] =	stream.indirect_vreg.gather [hbm4b:s12+s4], $0x80, v9, vm1, $0xb8;
	[tilespmem:$0x11180] =	vst v63  }
0xb5: {  	_ = 	snop  }
0xb6: {  	[tilespmem:s30], [sflag:$0x2] =	stream.indirect_vreg.gather [hbm4b:s16+s4], $0x80, v8, vm1, $0xb8;
	[tilespmem:$0x11180] =	vst v63  }
0xb7: {  	_ = 	snop  }
0xb8: {  	[tilespmem:s29], [sflag:$0x2] =	stream.indirect_vreg.gather [hbm4b:s10+s4], $0x80, v8, vm1, $0xb8;
	[tilespmem:$0x11180] =	vst v63  }
0xb9: {  	s14 =	simm.s32 $0xC100  }
0xba: {  	[tilespmem:s14], [sflag:$0x2] =	stream.indirect_vreg.gather [hbm4b:s11+s4], $0x80, v8, vm1, $0xb8;
	[tilespmem:$0x11180] =	vst v63  }
0xbb: {  	s15 =	simm.s32 $0xC900  }
0xbc: {  	[tilespmem:s15], [sflag:$0x2] =	stream.indirect_vreg.gather [hbm4b:s12+s4], $0x80, v8, vm1, $0xb8;
	[tilespmem:$0x11180] =	vst v63  }
0xbd: {  	v8 =	vld [tilespmem:$0x10F0];
	_ =	sdelay $0x4  }
0xbe: {  	v63 =	vshll.u32 v8, $0x3  }
0xbf: {  	v8 =	vand.u32 $0x7, v8;
	v9 =	vand.u32 $0xFFFFFFC0, v63  }
0xc0: {  	v8 =	vor.u32 v8, v9  }
0xc1: {  	v9 =	vperm.xlane v8, v5;
	_ =	sdelay $0x1  }
0xc2: {  	v9 =	vadd.s32 v6, v9;
	_ =	sdelay $0x3  }
0xc3: {  	s17 =	simm.s32 $0xD100  }
0xc4: {  	[tilespmem:s17], [sflag:$0x2] =	stream.indirect_vreg.gather [hbm4b:s16+s4], $0x80, v9, vm1, $0xb8;
	[tilespmem:$0x11180] =	vst v63  }
0xc5: {  	s18 =	simm.s32 $0xD900;
	v8 =	vperm.xlane v8, v7  }
0xc6: {  	[tilespmem:s18], [sflag:$0x2] =	stream.indirect_vreg.gather [hbm4b:s10+s4], $0x80, v9, vm1, $0xb8;
	[tilespmem:$0x11180] =	vst v63  }
0xc7: {  	s19 =	simm.s32 $0xE100;
	v8 =	vadd.s32 v6, v8  }
0xc8: {  	[tilespmem:s19], [sflag:$0x2] =	stream.indirect_vreg.gather [hbm4b:s11+s4], $0x80, v9, vm1, $0xb8;
	[tilespmem:$0x11180] =	vst v63  }
0xc9: {  	s20 =	simm.s32 $0xE900  }
0xca: {  	[tilespmem:s20], [sflag:$0x2] =	stream.indirect_vreg.gather [hbm4b:s12+s4], $0x80, v9, vm1, $0xb8;
	[tilespmem:$0x11180] =	vst v63  }
0xcb: {  	s22 =	simm.s32 $0xF100  }
0xcc: {  	[tilespmem:s22], [sflag:$0x2] =	stream.indirect_vreg.gather [hbm4b:s16+s4], $0x80, v8, vm1, $0xb8;
	[tilespmem:$0x11180] =	vst v63  }
0xcd: {  	s23 =	simm.s32 $0xF900  }
0xce: {  	[tilespmem:s23], [sflag:$0x2] =	stream.indirect_vreg.gather [hbm4b:s10+s4], $0x80, v8, vm1, $0xb8;
	[tilespmem:$0x11180] =	vst v63  }
0xcf: {  	s24 =	simm.s32 $0x10100  }
0xd0: {  	[tilespmem:s24], [sflag:$0x2] =	stream.indirect_vreg.gather [hbm4b:s11+s4], $0x80, v8, vm1, $0xb8;
	[tilespmem:$0x11180] =	vst v63  }
0xd1: {  	s25 =	simm.s32 $0x10900  }
0xd2: {  	[tilespmem:s25], [sflag:$0x2] =	stream.indirect_vreg.gather [hbm4b:s12+s4], $0x80, v8, vm1, $0xb8;
	[tilespmem:$0x11180] =	vst v63  }
0xd3: {  	_ =	swait.ge [sflag:s0], $0x8000  }
0xd4: {  	[sflag:s0] =	ssyncset.done $0x0  }
0xd5: {  	s28 =	rddreg [dreg:$0xc];
	[sflag:s0] =	ssyncadd.s32 $0xFFFF8000  }
0xd6: {  	[hbm4b:s28+s4] =	stream.linear.scatter [tilespmem:s7], [sflag:$0x3], $0x8000, $0x38;
	[tilespmem:$0x11180] =	vst v63  }
0xd7: {  	_ =	swait.ge [sflag:s1], $0x8000  }
0xd8: {  	[sflag:s1] =	ssyncset.done $0x0  }
0xd9: {  	[sflag:s1] =	ssyncadd.s32 $0xFFFF8000  }
0xda: {  	_ =	swait.ge [sflag:s8], $0x8000  }
0xdb: {  	[sflag:s8] =	ssyncset.done $0x0  }
0xdc: {  	s29 =	rddreg [dreg:$0x9];
	[sflag:s8] =	ssyncadd.s32 $0xFFFF8000  }
0xdd: {  	[hbm4b:s29+s4] =	stream.linear.scatter [tilespmem:s26], [sflag:$0x3], $0x8000, $0x38;
	[tilespmem:$0x11180] =	vst v63  }
0xde: {  	_ =	swait.ge [sflag:s1], $0x8000  }
0xdf: {  	s30 =	rddreg [dreg:$0xd]  }
0xe0: {  	s31 =	rddreg [dreg:$0xa];
	s2 =	sadd.s32 $0x1, s30  }
0xe1: {  	p0 =	sne.s32 s2, s31  }
.Ltmp1:
0xe2: {  	_ = 	snop;
	(pc) =	sbr.rel @!p0 .LBB2_23-.Ltmp1, $3  }
0xe3: {  	_ =	sdelay $0x1  }
0xe4: {  	[sflag:s1] =	ssyncset.done $0x0  }
0xe5: {  	[sflag:s1] =	ssyncadd.s32 $0xFFFF8000  }
.LBB2_1:
0xe6: {  	[dreg:$0xd] =	wrdreg s2  }
0xe7: {  	s0 =	rddreg [dreg:$0x0]  }
0xe8: {  	[tilespmem:s4], [sflag:$0x3] =	stream.linear.gather [hbm4b:s0+s4], $0x1000, $0x38;
	[tilespmem:$0x11180] =	vst v63  }
0xe9: {  	_ =	swait.ge [sflag:s1], $0x1000  }
0xea: {  	[sflag:s1] =	ssyncset.done $0x0  }
0xeb: {  	s31 =	simm.s32 $0x0;
	[sflag:s1] =	ssyncadd.s32 $0xFFFFF000  }
0xec: {  	v9 =	vld [tilespmem:s31+$0x0];
	_ =	sdelay $0x1  }
0xed: {  	v14 =	vimm.s32 $0x0  }
0xee: {  	v10 =	vimm.s32 $0x0;
	v11 =	vimm.s32 $0x0;
	v12 =	vimm.s32 $0x0  }
0xef: {  	v15 =	vimm.s32 $0x0;
	v16 =	vimm.s32 $0x0;
	v13 =	vimm.s32 $0x0  }
0xf0: {  	vm3 =	veq.s32 v9, $0x0;
	vm4 =	veq.s32 v9, $0x1;
	vm5 =	veq.s32 v9, $0x7  }
0xf1: {  	vm1 =	veq.s32 v9, $0x2;
	vm2 =	veq.s32 v9, $0x3;
	v8 =	vsel vm5, $0x1, v2  }
0xf2: {  	s0 =	simm.s32 $0x80;
	s1 =	simm.s32 $0x10;
	vm6 =	veq.s32 v9, $0x4;
	vm5 =	veq.s32 v9, $0x5;
	v8 =	vadd.s32 v8, v2  }
.LBB2_2:
0xf3: {  	p1 =	sne.s32 s0, $0x3FC0;
	v17 =	vsel vm3, $0x1, v2;
	v18 =	vsel vm4, $0x1, v2;
	vm3 =	veq.s32 v9, $0x6;
	v9 =	vld [tilespmem:s1+$0x0]  }
0xf4: {  	v19 =	vsel vm1, $0x1, v2;
	v20 =	vsel vm2, $0x1, v2;
	v21 =	vsel vm6, $0x1, v2  }
0xf5: {  	v14 =	vadd.s32 v17, v14;
	v17 =	vsel vm5, $0x1, v2;
	v22 =	vsel vm3, $0x1, v2  }
.Ltmp2:
0xf6: {  	v10 =	vadd.s32 v18, v10;
	v11 =	vadd.s32 v19, v11;
	v12 =	vadd.s32 v20, v12;
	(pc) =	sbr.rel @p1 .LBB2_2-.Ltmp2, $4  }
0xf7: {  	v15 =	vadd.s32 v21, v15;
	v16 =	vadd.s32 v17, v16;
	v13 =	vadd.s32 v22, v13  }
0xf8: {  	vm3 =	veq.s32 v9, $0x0;
	vm4 =	veq.s32 v9, $0x1;
	vm5 =	veq.s32 v9, $0x7  }
0xf9: {  	vm1 =	veq.s32 v9, $0x2;
	vm2 =	veq.s32 v9, $0x3;
	v17 =	vsel vm5, $0x1, v2  }
0xfa: {  	s1 =	sshra.s32 s0, $0x2;
	s0 =	sadd.s32 $0x40, s0;
	vm6 =	veq.s32 v9, $0x4;
	vm5 =	veq.s32 v9, $0x5;
	v8 =	vadd.s32 v17, v8  }
0xfb: {  	v17 =	vld [tilespmem:s1+$0x0];
	v18 =	vsel vm3, $0x1, v2  }
0xfc: {  	v19 =	vsel vm4, $0x1, v2;
	vm3 =	veq.s32 v9, $0x6;
	v9 =	vsel vm1, $0x1, v2  }
0xfd: {  	v20 =	vsel vm2, $0x1, v2;
	v21 =	vsel vm6, $0x1, v2;
	v57 =	vsel vm5, $0x1, v2  }
0xfe: {  	v14 =	vadd.s32 v18, v14;
	v22 =	vsel vm3, $0x1, v2;
	v10 =	vadd.s32 v19, v10  }
0xff: {  	v9 =	vadd.s32 v9, v11;
	v11 =	vadd.s32 v20, v12;
	v58 =	vadd.s32 v21, v15  }
0x100: {  	v59 =	vadd.s32 v57, v16;
	v13 =	vadd.s32 v22, v13;
	vm1 =	veq.s32 v17, $0x0  }
0x101: {  	vm2 =	veq.s32 v17, $0x1;
	v60 =	vsel vm1, $0x1, v2;
	vm1 =	veq.s32 v17, $0x2  }
0x102: {  	v61 =	vsel vm2, $0x1, v2;
	vm2 =	veq.s32 v17, $0x3;
	v14 =	vadd.s32 v60, v14  }
0x103: {  	v62 =	vsel vm1, $0x1, v2;
	v10 =	vadd.s32 v61, v10;
	vm1 =	veq.s32 v17, $0x4;
	(xrf0) =	vadd.scan.msk.s32 $0xffff, v14  }
0x104: {  	v63 =	vsel vm2, $0x1, v2;
	vm2 =	veq.s32 v17, $0x5;
	v9 =	vadd.s32 v62, v9;
	(xrf0) =	vadd.scan.msk.s32 $0xffff, v10  }
0x105: {  	v11 =	vadd.s32 v63, v11;
	v10 =	vsel vm1, $0x1, v2;
	vm1 =	veq.s32 v17, $0x6;
	(xrf0) =	vadd.scan.msk.s32 $0xffff, v9  }
0x106: {  	v9 =	vsel vm2, $0x1, v2;
	v10 =	vadd.s32 v10, v58;
	vm2 =	veq.s32 v17, $0x7;
	(xrf0) =	vadd.scan.msk.s32 $0xffff, v11  }
0x107: {  	v11 =	vsel vm1, $0x1, v2;
	v9 =	vadd.s32 v9, v59;
	(xrf0) =	vadd.scan.msk.s32 $0xffff, v10;
	v10 =	vsel vm2, $0x1, v2  }
0x108: {  	v11 =	vadd.s32 v11, v13;
	(xrf0) =	vadd.scan.msk.s32 $0xffff, v9;
	v9 =	vadd.s32 v10, v8  }
0x109: {  	v8, _, _ =	vpop (xrf0);
	(xrf0) =	vadd.scan.msk.s32 $0xffff, v11  }
0x10a: {  	(v2sf) =	vpush v8, $0xF;
	v10, _, _ =	vpop (xrf0);
	(xrf0) =	vadd.scan.msk.s32 $0xffff, v9  }
0x10b: {  	v9, _, _ =	vpop (xrf0);
	(v2sf) =	vpush v10, $0xF  }
0x10c: {  	v10, _, _ =	vpop (xrf0);
	(v2sf) =	vpush v9, $0xF  }
0x10d: {  	v9, _, _ =	vpop (xrf0);
	(v2sf) =	vpush v10, $0xF  }
0x10e: {  	v10, _, _ =	vpop (xrf0);
	(v2sf) =	vpush v9, $0xF  }
0x10f: {  	v9, _, _ =	vpop (xrf0);
	(v2sf) =	vpush v10, $0xF  }
0x110: {  	(v2sf) =	vpush v9, $0xF;
	v9, _, _ =	vpop (xrf0)  }
0x111: {  	(v2sf) =	vpush v9, $0xF;
	_ =	sdelay $0x7  }
0x112: {  	s13 =	spop (v2sf)  }
0x113: {  	s5 =	spop (v2sf)  }
0x114: {  	s31 =	spop (v2sf);
	s28 =	sadd.s32 s13, s5  }
0x115: {  	s22 =	spop (v2sf);
	s26 =	sadd.s32 s31, s28  }
.Ltmp3:
0x116: {  	s20 =	spop (v2sf);
	s25 =	sadd.s32 s22, s26;
	(pc) =	sbr.rel @p2 .LBB2_5-.Ltmp3, $4  }
0x117: {  	s19 =	spop (v2sf);
	s24 =	sadd.s32 s20, s25  }
0x118: {  	s2 =	spop (v2sf);
	s23 =	sadd.s32 s19, s24  }
0x119: {  	s0 =	spop (v2sf);
	s6 =	sadd.s32 s2, s23  }
0x11a: {  	s30 =	sadd.s32 s0, s6  }
0x11b: {  	s8 =	sshra.s32 s13, $0x8  }
0x11c: {  	s14 =	smov.u32 s11;
	s11 =	sshra.s32 s28, $0x8;
	s15 =	smov.u32 s10  }
0x11d: {  	s10 =	sshra.s32 s26, $0x8;
	s16 =	smov.u32 s30;
	s30 =	sshra.s32 s25, $0x8  }
0x11e: {  	s17 =	sshra.s32 s24, $0x8;
	s29 =	sadd.s32 $0xFF, s13;
	s1 =	sshra.s32 s23, $0x8  }
0x11f: {  	p0 =	sgt.s32 s13, $0x0;
	s7 =	sadd.s32 $0xFF, s28;
	p5 =	sgt.s32 s5, $0x0  }
0x120: {  	p6 =	sgt.s32 s31, $0x0;
	s18 =	sadd.s32 $0xFF, s25;
	[dreg:$0x10] =	wrdreg s8  }
0x121: {  	p4 =	sgt.s32 s20, $0x0;
	p3 =	sgt.s32 s19, $0x0;
	[dreg:$0xf] =	wrdreg s11  }
0x122: {  	s20 =	sadd.s32 $0xFF, s6;
	p1 =	sgt.s32 s2, $0x0;
	[dreg:$0x11] =	wrdreg s1  }
0x123: {  	s3 =	sshra.s32 s29, $0x8;
	s29 =	sshra.s32 s6, $0x8;
	s5 =	sshra.s32 s7, $0x8  }
0x124: {  	s1 =	sadd.s32 $0xFF, s26;
	s2 =	simm.s32 @!p1 $0x0;
	s3 =	simm.s32 @!p0 $0x0  }
0x125: {  	s7 =	sshra.s32 s1, $0x8;
	p0 =	sgt.s32 s22, $0x0;
	s22 =	sshra.s32 s18, $0x8  }
0x126: {  	s1 =	sadd.s32 $0xFF, s24;
	s18 =	sadd.s32 $0xFF, s23;
	s2 =	simm.s32 @p1 $0x1  }
0x127: {  	p1 =	por p2, p2;
	p2 =	sgt.s32 s0, $0x0;
	s31 =	sshra.s32 s1, $0x8  }
0x128: {  	s1 =	sshra.s32 s18, $0x8;
	[smem:$0x7FD] =	sst s2;
	s18 =	sshra.s32 s20, $0x8  }
0x129: {  	s2 =	ssub.s32 s5, s8;
	s0 =	ssub.s32 s7, s11;
	s11 =	smov.u32 s14  }
0x12a: {  	s14 =	smov.u32 s30;
	s8 =	rddreg [dreg:$0x11];
	s2 =	simm.s32 @!p5 $0x0  }
0x12b: {  	s0 =	simm.s32 @!p6 $0x0;
	s19 =	sadd.s32 s3, s2;
	s2 =	ssub.s32 s22, s10  }
0x12c: {  	s20 =	sadd.s32 s0, s19;
	s2 =	simm.s32 @!p0 $0x0;
	s0 =	ssub.s32 s31, s30  }
0x12d: {  	s30 =	smov.u32 s16;
	s16 =	sadd.s32 $0xFF, s16;
	s31 =	sld [smem:$0x7FD]  }
0x12e: {  	s22 =	sadd.s32 s2, s20;
	s0 =	simm.s32 @!p4 $0x0;
	s5 =	sshra.s32 s16, $0x8  }
0x12f: {  	s2 =	sadd.s32 s0, s22;
	s0 =	ssub.s32 s1, s17;
	s1 =	ssub.s32 s18, s8  }
0x130: {  	s18 =	sxor.u32 $0xFFFFFFFF, s29;
	s0 =	simm.s32 @!p3 $0x0;
	p0 =	seq.s32 s31, $0x1  }
0x131: {  	s5 =	sadd.s32 s18, s5;
	s0 =	sadd.s32 s0, s2;
	s1 =	simm.s32 @!p0 $0x0  }
0x132: {  	v8 =	vbroadcast v8, $0xF;
	s5 =	simm.s32 @!p2 $0xFFFFFFFF;
	s31 =	sadd.s32 s1, s0  }
0x133: {  	s1 =	sadd.s32 s31, s5  }
0x134: {  	vm5 =	veq.s32 v3, $0x2;
	v8 =	vnsel vm0, $0x0, v8;
	v9 =	vmov s1  }
0x135: {  	v11 =	vmov s3;
	vm1 =	vlt.s32 v9, v3;
	vm2 =	vlt.s32 v9, v4  }
0x136: {  	s7 =	rddreg [dreg:$0x10];
	v8 =	vsel vm5, s28, v8;
	v47 =	vsel vm1, s1, v3;
	v10 =	vsel vm2, s1, v4  }
0x137: {  	v59 =	vmov s7;
	vm1 =	vge.s32 v47, s3;
	vm2 =	vge.s32 v10, s3  }
0x138: {  	vm3 =	vge.s32 v47, s19;
	v12 =	vsel vm1, $0x1, v2;
	vm1 =	vge.s32 v47, s20  }
0x139: {  	v13 =	vsel vm3, $0x1, v2;
	v48 =	vsel vm1, $0x1, v2;
	vm1 =	vge.s32 v47, s22  }
0x13a: {  	v12 =	vadd.s32 v13, v12;
	v49 =	vsel vm1, $0x1, v2;
	vm1 =	vge.s32 v47, s2  }
0x13b: {  	v12 =	vadd.s32 v48, v12;
	v50 =	vsel vm1, $0x1, v2;
	vm1 =	vge.s32 v47, s0  }
0x13c: {  	v12 =	vadd.s32 v49, v12;
	v51 =	vsel vm1, $0x1, v2;
	vm1 =	vge.s32 v47, s31  }
0x13d: {  	v12 =	vadd.s32 v50, v12;
	v52 =	vsel vm1, $0x1, v2;
	vm1 =	vge.s32 v10, s19  }
0x13e: {  	v14 =	vsel vm2, $0x1, v2;
	v12 =	vadd.s32 v51, v12;
	v15 =	vsel vm1, $0x1, v2  }
0x13f: {  	vm1 =	vge.s32 v10, s20;
	v12 =	vadd.s32 v52, v12;
	v14 =	vadd.s32 v15, v14  }
0x140: {  	v53 =	vsel vm1, $0x1, v2;
	vm1 =	vge.s32 v10, s22;
	vm3 =	veq.s32 v12, $0x2  }
0x141: {  	v14 =	vadd.s32 v53, v14;
	v54 =	vsel vm1, $0x1, v2;
	vm1 =	vge.s32 v10, s2  }
0x142: {  	v14 =	vadd.s32 v54, v14;
	v55 =	vsel vm1, $0x1, v2;
	vm1 =	vge.s32 v10, s0  }
0x143: {  	v14 =	vadd.s32 v55, v14;
	v56 =	vsel vm1, $0x1, v2;
	vm1 =	vge.s32 v10, s31  }
0x144: {  	v57 =	vadd.s32 v56, v14;
	v58 =	vsel vm1, $0x1, v2;
	vm1 =	veq.s32 v12, $0x1  }
0x145: {  	[dreg:$0xe] =	wrdreg s10;
	v13 =	vadd.s32 v58, v57;
	v60 =	vnsel vm1, $0x0, v59;
	v16 =	vnsel vm1, $0x0, v11  }
0x146: {  	s10 =	smov.u32 s15;
	s15 =	rddreg [dreg:$0xf];
	vm1 =	veq.s32 v3, $0x3;
	vm2 =	veq.s32 v13, $0x1;
	vm4 =	veq.s32 v13, $0x2  }
0x147: {  	v14 =	vsel vm3, s15, v60;
	v16 =	vsel vm3, s19, v16;
	v8 =	vsel vm1, s26, v8  }
0x148: {  	vm1 =	veq.s32 v3, $0x4;
	vm3 =	veq.s32 v13, $0x3;
	v15 =	vnsel vm2, $0x0, v59  }
0x149: {  	v11 =	vnsel vm2, $0x0, v11;
	v8 =	vsel vm1, s25, v8;
	vm1 =	veq.s32 v3, $0x5  }
0x14a: {  	s16 =	rddreg [dreg:$0xe];
	vm2 =	veq.s32 v12, $0x3;
	v15 =	vsel vm4, s15, v15;
	v11 =	vsel vm4, s19, v11  }
0x14b: {  	v14 =	vsel vm2, s16, v14;
	v8 =	vsel vm1, s24, v8;
	vm1 =	veq.s32 v3, $0x6  }
0x14c: {  	v16 =	vsel vm2, s20, v16;
	vm2 =	veq.s32 v12, $0x4;
	v15 =	vsel vm3, s16, v15  }
0x14d: {  	v11 =	vsel vm3, s20, v11;
	v8 =	vsel vm1, s23, v8;
	vm1 =	veq.s32 v3, $0x7  }
0x14e: {  	vm3 =	veq.s32 v13, $0x4;
	v14 =	vsel vm2, s14, v14;
	v16 =	vsel vm2, s22, v16  }
0x14f: {  	vm2 =	veq.s32 v13, $0x5;
	v8 =	vsel vm1, s6, v8;
	vm1 =	veq.s32 v3, $0x8  }
0x150: {  	v15 =	vsel vm3, s14, v15;
	v11 =	vsel vm3, s22, v11;
	v8 =	vsel vm1, s30, v8  }
0x151: {  	s18 =	rddreg [dreg:$0x7];
	s19 =	simm.s32 $0x11100;
	s20 =	simm.s32 $0x3;
	vm3 =	veq.s32 v13, $0x6;
	vm1 =	veq.s32 v12, $0x5;
	v15 =	vsel vm2, s17, v15;
	[tilespmem:$0x11100] =	vst v8  }
0x152: {  	v14 =	vsel vm1, s17, v14;
	v8 =	vsel vm1, s2, v16;
	vm1 =	veq.s32 v12, $0x6;
	[hbm4b:s18+s4] =	stream.linear.scatter [tilespmem:s19], [sflag:$0x3], $0x10, $0x38;
	[tilespmem:$0x11180] =	vst v63  }
0x153: {  	s16 =	rddreg [dreg:$0x1];
	v11 =	vsel vm2, s2, v11;
	vm2 =	veq.s32 v12, $0x7;
	v8 =	vsel vm1, s0, v8;
	_ =	swait.ge [sflag:s20], $0x10  }
0x154: {  	v11 =	vsel vm3, s0, v11;
	v14 =	vsel vm1, s8, v14;
	v8 =	vsel vm2, s31, v8;
	[sflag:s20] =	ssyncset.done $0x0  }
0x155: {  	vm1 =	veq.s32 v13, $0x7;
	v61 =	vsel vm2, s29, v14;
	v8 =	vsub.s32 v47, v8;
	[sflag:s20] =	ssyncadd.s32 $0xFFFFFFF0  }
0x156: {  	v62 =	vsel vm3, s8, v15;
	v11 =	vsel vm1, s31, v11;
	v8 =	vadd.s32 v61, v8;
	[tilespmem:$0x11100] =	vst v12  }
0x157: {  	v63 =	vsel vm1, s29, v62;
	[tilespmem:$0x11120] =	vst v8;
	v8 =	vsub.s32 v10, v11  }
0x158: {  	[tilespmem:$0x11110] =	vst v13;
	v8 =	vadd.s32 v63, v8  }
0x159: {  	s22 =	rddreg [dreg:$0x4];
	[tilespmem:$0x11130] =	vst v8  }
0x15a: {  	[hbm4b:s22+s4] =	stream.linear.scatter [tilespmem:s19], [sflag:$0x3], $0x20, $0x38;
	[tilespmem:$0x11180] =	vst v63  }
0x15b: {  	_ =	swait.ge [sflag:s20], $0x20  }
0x15c: {  	[sflag:s20] =	ssyncset.done $0x0  }
0x15d: {  	s31 =	simm.s32 $0x11120;
	s29 =	rddreg [dreg:$0x5];
	[sflag:s20] =	ssyncadd.s32 $0xFFFFFFE0  }
0x15e: {  	[hbm4b:s29+s4] =	stream.linear.scatter [tilespmem:s31], [sflag:$0x3], $0x20, $0x38;
	[tilespmem:$0x11180] =	vst v63  }
0x15f: {  	_ =	swait.ge [sflag:s20], $0x20  }
0x160: {  	[sflag:s20] =	ssyncset.done $0x0  }
0x161: {  	p2 =	por p1, p1;
	[sflag:s20] =	ssyncadd.s32 $0xFFFFFFE0  }
.LBB2_5:
0x162: {  	s0 =	rddreg [dreg:$0x6]  }
0x163: {  	p0 =	sle.s32 s13, s0  }
.Ltmp4:
0x164: {  	_ = 	snop;
	(pc) =	sbr.rel @p0 .LBB2_8-.Ltmp4, $1  }
0x165: {  	_ =	sdelay $0x3  }
0x166: {  	p0 =	slt.s32 s13, s9  }
0x167: {  	s0 =	smov.u32 s9;
	s15 =	simm.s32 $0x0;
	s1 =	simm.s32 $0x0  }
0x168: {  	s2 =	simm.s32 $0x0;
	s14 =	simm.s32 $0x0;
	s0 =	smov.u32 @p0 s13  }
.LBB2_7:
0x169: {  	v8 =	vld [tilespmem:s2+$0x0];
	_ =	sdelay $0x4  }
0x16a: {  	vm1 =	veq.s32 v8, $0x0  }
0x16b: {  	v8 =	vsel vm1, $0x1, v2  }
0x16c: {  	(xrf0) =	vadd.scan.msk.s32 $0xffff, v8;
	_ =	sdelay $0x5  }
0x16d: {  	v8, _, _ =	vpop (xrf0)  }
0x16e: {  	(v2sf) =	vpush v8, $0xF;
	_ =	sdelay $0x9  }
0x16f: {  	v9 =	vmov s14  }
0x170: {  	v9 =	vadd.s32 $0xFFFFFFFF, v9  }
0x171: {  	v9 =	vbroadcast v9, $0x0;
	_ =	sdelay $0x1  }
0x172: {  	v8 =	vadd.s32 v8, v9  }
0x173: {  	vm2 =	vge.s32 v8, v0;
	vm3 =	vlt.s32 v8, v1;
	s3 =	spop (v2sf)  }
0x174: {  	p0 =	sgt.u32 s15, $0xFE;
	v9 =	vsub.s32 v8, v0;
	vm2 =	vmand vm2, vm3;
	s14 =	sadd.s32 s14, s3  }
0x175: {  	v8 =	vand.u32 $0x7F, v8;
	v9 =	vand.u32 $0xFFFFFF80, v9;
	vm1 =	vmand vm1, vm2;
	p1 =	slt.s32 @!p0 s14, s0  }
0x176: {  	v8 =	vor.u32 v8, v9;
	p0 =	por p0, !p1  }
.Ltmp5:
0x177: {  	_ = 	snop;
	(pc) =	sbr.rel @!p0 .LBB2_7-.Ltmp5, $3  }
0x178: {  	_ =	sdelay $0x1  }
0x179: {  	v63 =	vor.u32 s1, v3  }
0x17a: {  	s15 =	sadd.s32 $0x1, s15;
	s2 =	sadd.s32 $0x10, s2;
	s1 =	sadd.s32 $0x10, s1;
	[tilespmem:v8+s21+$0x0] =	vst.idx.msk vm1, v63  }
.LBB2_8:
0x17b: {  	p0 =	sge.s32 s13, s9;
	s0 =	rddreg [dreg:$0x6]  }
0x17c: {  	p1 =	sle.s32 @!p0 s28, s0  }
0x17d: {  	p0 =	por p0, p1  }
0x17e: {  	p1 =	slt.s32 @!p0 s28, s9  }
0x17f: {  	s0 =	smov.u32 s28;
	p1 =	por !p1, p0  }
0x180: {  	s0 =	smov.u32 @p1 s9  }
0x181: {  	s0 =	ssub.s32 @!p0 s0, s13  }
0x182: {  	p1 =	slt.s32 @!p0 s0, $0x1  }
0x183: {  	s15 =	simm.s32 @!p0 $0x0;
	p0 =	por p0, p1  }
.Ltmp6:
0x184: {  	_ = 	snop;
	(pc) =	sbr.rel @p0 .LBB2_10-.Ltmp6, $2  }
0x185: {  	_ =	sdelay $0x2  }
0x186: {  	s1 =	smov.u32 s15;
	s2 =	smov.u32 s15;
	s14 =	smov.u32 s15  }
.LBB2_9:
0x187: {  	v8 =	vld [tilespmem:s2+$0x0];
	_ =	sdelay $0x4  }
0x188: {  	vm1 =	veq.s32 v8, $0x1  }
0x189: {  	v8 =	vsel vm1, $0x1, v2  }
0x18a: {  	(xrf0) =	vadd.scan.msk.s32 $0xffff, v8;
	_ =	sdelay $0x5  }
0x18b: {  	v8, _, _ =	vpop (xrf0)  }
0x18c: {  	(v2sf) =	vpush v8, $0xF;
	_ =	sdelay $0x8  }
0x18d: {  	s3 =	sadd.s32 s13, s14  }
0x18e: {  	v9 =	vmov s3  }
0x18f: {  	v9 =	vadd.s32 $0xFFFFFFFF, v9  }
0x190: {  	v9 =	vbroadcast v9, $0x0;
	_ =	sdelay $0x1  }
0x191: {  	v8 =	vadd.s32 v8, v9  }
0x192: {  	vm2 =	vge.s32 v8, v0;
	vm3 =	vlt.s32 v8, v1;
	s31 =	spop (v2sf)  }
0x193: {  	p0 =	sgt.u32 s15, $0xFE;
	v9 =	vsub.s32 v8, v0;
	vm2 =	vmand vm2, vm3;
	s14 =	sadd.s32 s14, s31  }
0x194: {  	v8 =	vand.u32 $0x7F, v8;
	v9 =	vand.u32 $0xFFFFFF80, v9;
	vm1 =	vmand vm1, vm2;
	p1 =	slt.s32 @!p0 s14, s0  }
0x195: {  	v8 =	vor.u32 v8, v9;
	p0 =	por p0, !p1  }
.Ltmp7:
0x196: {  	_ = 	snop;
	(pc) =	sbr.rel @!p0 .LBB2_9-.Ltmp7, $3  }
0x197: {  	_ =	sdelay $0x1  }
0x198: {  	v63 =	vor.u32 s1, v3  }
0x199: {  	s15 =	sadd.s32 $0x1, s15;
	s2 =	sadd.s32 $0x10, s2;
	s1 =	sadd.s32 $0x10, s1;
	[tilespmem:v8+s21+$0x0] =	vst.idx.msk vm1, v63  }
.LBB2_10:
0x19a: {  	p0 =	sge.s32 s28, s9;
	s0 =	rddreg [dreg:$0x6]  }
0x19b: {  	p1 =	sle.s32 @!p0 s26, s0  }
0x19c: {  	p0 =	por p0, p1  }
0x19d: {  	p1 =	slt.s32 @!p0 s26, s9  }
0x19e: {  	s0 =	smov.u32 s26;
	p1 =	por !p1, p0  }
0x19f: {  	s0 =	smov.u32 @p1 s9  }
0x1a0: {  	s0 =	ssub.s32 @!p0 s0, s28  }
0x1a1: {  	p1 =	slt.s32 @!p0 s0, $0x1  }
0x1a2: {  	s14 =	simm.s32 @!p0 $0x0;
	p0 =	por p0, p1  }
.Ltmp8:
0x1a3: {  	_ = 	snop;
	(pc) =	sbr.rel @p0 .LBB2_12-.Ltmp8, $2  }
0x1a4: {  	_ =	sdelay $0x2  }
0x1a5: {  	s1 =	smov.u32 s14;
	s2 =	smov.u32 s14;
	s13 =	smov.u32 s14  }
.LBB2_11:
0x1a6: {  	v8 =	vld [tilespmem:s2+$0x0];
	_ =	sdelay $0x4  }
0x1a7: {  	vm1 =	veq.s32 v8, $0x2  }
0x1a8: {  	v8 =	vsel vm1, $0x1, v2  }
0x1a9: {  	(xrf0) =	vadd.scan.msk.s32 $0xffff, v8;
	_ =	sdelay $0x5  }
0x1aa: {  	v8, _, _ =	vpop (xrf0)  }
0x1ab: {  	(v2sf) =	vpush v8, $0xF;
	_ =	sdelay $0x8  }
0x1ac: {  	s3 =	sadd.s32 s28, s13  }
0x1ad: {  	v9 =	vmov s3  }
0x1ae: {  	v9 =	vadd.s32 $0xFFFFFFFF, v9  }
0x1af: {  	v9 =	vbroadcast v9, $0x0;
	_ =	sdelay $0x1  }
0x1b0: {  	v8 =	vadd.s32 v8, v9  }
0x1b1: {  	vm2 =	vge.s32 v8, v0;
	vm3 =	vlt.s32 v8, v1;
	s31 =	spop (v2sf)  }
0x1b2: {  	p0 =	sgt.u32 s14, $0xFE;
	v9 =	vsub.s32 v8, v0;
	vm2 =	vmand vm2, vm3;
	s13 =	sadd.s32 s13, s31  }
0x1b3: {  	v8 =	vand.u32 $0x7F, v8;
	v9 =	vand.u32 $0xFFFFFF80, v9;
	vm1 =	vmand vm1, vm2;
	p1 =	slt.s32 @!p0 s13, s0  }
0x1b4: {  	v8 =	vor.u32 v8, v9;
	p0 =	por p0, !p1  }
.Ltmp9:
0x1b5: {  	_ = 	snop;
	(pc) =	sbr.rel @!p0 .LBB2_11-.Ltmp9, $3  }
0x1b6: {  	_ =	sdelay $0x1  }
0x1b7: {  	v63 =	vor.u32 s1, v3  }
0x1b8: {  	s14 =	sadd.s32 $0x1, s14;
	s2 =	sadd.s32 $0x10, s2;
	s1 =	sadd.s32 $0x10, s1;
	[tilespmem:v8+s21+$0x0] =	vst.idx.msk vm1, v63  }
.LBB2_12:
0x1b9: {  	p0 =	sge.s32 s26, s9;
	s0 =	rddreg [dreg:$0x6]  }
0x1ba: {  	p1 =	sle.s32 @!p0 s25, s0  }
0x1bb: {  	p0 =	por p0, p1  }
0x1bc: {  	p1 =	slt.s32 @!p0 s25, s9  }
0x1bd: {  	s0 =	smov.u32 s25;
	p1 =	por !p1, p0  }
0x1be: {  	s0 =	smov.u32 @p1 s9  }
0x1bf: {  	s0 =	ssub.s32 @!p0 s0, s26  }
0x1c0: {  	p1 =	slt.s32 @!p0 s0, $0x1  }
0x1c1: {  	s14 =	simm.s32 @!p0 $0x0;
	p0 =	por p0, p1  }
.Ltmp10:
0x1c2: {  	_ = 	snop;
	(pc) =	sbr.rel @p0 .LBB2_14-.Ltmp10, $2  }
0x1c3: {  	_ =	sdelay $0x2  }
0x1c4: {  	s1 =	smov.u32 s14;
	s2 =	smov.u32 s14;
	s13 =	smov.u32 s14  }
.LBB2_13:
0x1c5: {  	v8 =	vld [tilespmem:s2+$0x0];
	_ =	sdelay $0x4  }
0x1c6: {  	vm1 =	veq.s32 v8, $0x3  }
0x1c7: {  	v8 =	vsel vm1, $0x1, v2  }
0x1c8: {  	(xrf0) =	vadd.scan.msk.s32 $0xffff, v8;
	_ =	sdelay $0x5  }
0x1c9: {  	v8, _, _ =	vpop (xrf0)  }
0x1ca: {  	(v2sf) =	vpush v8, $0xF;
	_ =	sdelay $0x8  }
0x1cb: {  	s3 =	sadd.s32 s26, s13  }
0x1cc: {  	v9 =	vmov s3  }
0x1cd: {  	v9 =	vadd.s32 $0xFFFFFFFF, v9  }
0x1ce: {  	v9 =	vbroadcast v9, $0x0;
	_ =	sdelay $0x1  }
0x1cf: {  	v8 =	vadd.s32 v8, v9  }
0x1d0: {  	vm2 =	vge.s32 v8, v0;
	vm3 =	vlt.s32 v8, v1;
	s31 =	spop (v2sf)  }
0x1d1: {  	p0 =	sgt.u32 s14, $0xFE;
	v9 =	vsub.s32 v8, v0;
	vm2 =	vmand vm2, vm3;
	s13 =	sadd.s32 s13, s31  }
0x1d2: {  	v8 =	vand.u32 $0x7F, v8;
	v9 =	vand.u32 $0xFFFFFF80, v9;
	vm1 =	vmand vm1, vm2;
	p1 =	slt.s32 @!p0 s13, s0  }
0x1d3: {  	v8 =	vor.u32 v8, v9;
	p0 =	por p0, !p1  }
.Ltmp11:
0x1d4: {  	_ = 	snop;
	(pc) =	sbr.rel @!p0 .LBB2_13-.Ltmp11, $3  }
0x1d5: {  	_ =	sdelay $0x1  }
0x1d6: {  	v63 =	vor.u32 s1, v3  }
0x1d7: {  	s14 =	sadd.s32 $0x1, s14;
	s2 =	sadd.s32 $0x10, s2;
	s1 =	sadd.s32 $0x10, s1;
	[tilespmem:v8+s21+$0x0] =	vst.idx.msk vm1, v63  }
.LBB2_14:
0x1d8: {  	p0 =	sge.s32 s25, s9;
	s0 =	rddreg [dreg:$0x6]  }
0x1d9: {  	p1 =	sle.s32 @!p0 s24, s0  }
0x1da: {  	p0 =	por p0, p1  }
0x1db: {  	p1 =	slt.s32 @!p0 s24, s9  }
0x1dc: {  	s0 =	smov.u32 s24;
	p1 =	por !p1, p0  }
0x1dd: {  	s0 =	smov.u32 @p1 s9  }
0x1de: {  	s0 =	ssub.s32 @!p0 s0, s25  }
0x1df: {  	p1 =	slt.s32 @!p0 s0, $0x1  }
0x1e0: {  	s14 =	simm.s32 @!p0 $0x0;
	p0 =	por p0, p1  }
.Ltmp12:
0x1e1: {  	_ = 	snop;
	(pc) =	sbr.rel @p0 .LBB2_16-.Ltmp12, $2  }
0x1e2: {  	_ =	sdelay $0x2  }
0x1e3: {  	s1 =	smov.u32 s14;
	s2 =	smov.u32 s14;
	s13 =	smov.u32 s14  }
.LBB2_15:
0x1e4: {  	v8 =	vld [tilespmem:s2+$0x0];
	_ =	sdelay $0x4  }
0x1e5: {  	vm1 =	veq.s32 v8, $0x4  }
0x1e6: {  	v8 =	vsel vm1, $0x1, v2  }
0x1e7: {  	(xrf0) =	vadd.scan.msk.s32 $0xffff, v8;
	_ =	sdelay $0x5  }
0x1e8: {  	v8, _, _ =	vpop (xrf0)  }
0x1e9: {  	(v2sf) =	vpush v8, $0xF;
	_ =	sdelay $0x8  }
0x1ea: {  	s3 =	sadd.s32 s25, s13  }
0x1eb: {  	v9 =	vmov s3  }
0x1ec: {  	v9 =	vadd.s32 $0xFFFFFFFF, v9  }
0x1ed: {  	v9 =	vbroadcast v9, $0x0;
	_ =	sdelay $0x1  }
0x1ee: {  	v8 =	vadd.s32 v8, v9  }
0x1ef: {  	vm2 =	vge.s32 v8, v0;
	vm3 =	vlt.s32 v8, v1;
	s31 =	spop (v2sf)  }
0x1f0: {  	p0 =	sgt.u32 s14, $0xFE;
	v9 =	vsub.s32 v8, v0;
	vm2 =	vmand vm2, vm3;
	s13 =	sadd.s32 s13, s31  }
0x1f1: {  	v8 =	vand.u32 $0x7F, v8;
	v9 =	vand.u32 $0xFFFFFF80, v9;
	vm1 =	vmand vm1, vm2;
	p1 =	slt.s32 @!p0 s13, s0  }
0x1f2: {  	v8 =	vor.u32 v8, v9;
	p0 =	por p0, !p1  }
.Ltmp13:
0x1f3: {  	_ = 	snop;
	(pc) =	sbr.rel @!p0 .LBB2_15-.Ltmp13, $3  }
0x1f4: {  	_ =	sdelay $0x1  }
0x1f5: {  	v63 =	vor.u32 s1, v3  }
0x1f6: {  	s14 =	sadd.s32 $0x1, s14;
	s2 =	sadd.s32 $0x10, s2;
	s1 =	sadd.s32 $0x10, s1;
	[tilespmem:v8+s21+$0x0] =	vst.idx.msk vm1, v63  }
.LBB2_16:
0x1f7: {  	p0 =	sge.s32 s24, s9;
	s0 =	rddreg [dreg:$0x6]  }
0x1f8: {  	p1 =	sle.s32 @!p0 s23, s0  }
0x1f9: {  	p0 =	por p0, p1  }
0x1fa: {  	p1 =	slt.s32 @!p0 s23, s9  }
0x1fb: {  	s0 =	smov.u32 s23;
	p1 =	por !p1, p0  }
0x1fc: {  	s0 =	smov.u32 @p1 s9  }
0x1fd: {  	s0 =	ssub.s32 @!p0 s0, s24  }
0x1fe: {  	p1 =	slt.s32 @!p0 s0, $0x1  }
0x1ff: {  	s14 =	simm.s32 @!p0 $0x0;
	p0 =	por p0, p1  }
.Ltmp14:
0x200: {  	_ = 	snop;
	(pc) =	sbr.rel @p0 .LBB2_18-.Ltmp14, $2  }
0x201: {  	_ =	sdelay $0x2  }
0x202: {  	s1 =	smov.u32 s14;
	s2 =	smov.u32 s14;
	s13 =	smov.u32 s14  }
.LBB2_17:
0x203: {  	v8 =	vld [tilespmem:s2+$0x0];
	_ =	sdelay $0x4  }
0x204: {  	vm1 =	veq.s32 v8, $0x5  }
0x205: {  	v8 =	vsel vm1, $0x1, v2  }
0x206: {  	(xrf0) =	vadd.scan.msk.s32 $0xffff, v8;
	_ =	sdelay $0x5  }
0x207: {  	v8, _, _ =	vpop (xrf0)  }
0x208: {  	(v2sf) =	vpush v8, $0xF;
	_ =	sdelay $0x8  }
0x209: {  	s3 =	sadd.s32 s24, s13  }
0x20a: {  	v9 =	vmov s3  }
0x20b: {  	v9 =	vadd.s32 $0xFFFFFFFF, v9  }
0x20c: {  	v9 =	vbroadcast v9, $0x0;
	_ =	sdelay $0x1  }
0x20d: {  	v8 =	vadd.s32 v8, v9  }
0x20e: {  	vm2 =	vge.s32 v8, v0;
	vm3 =	vlt.s32 v8, v1;
	s31 =	spop (v2sf)  }
0x20f: {  	p0 =	sgt.u32 s14, $0xFE;
	v9 =	vsub.s32 v8, v0;
	vm2 =	vmand vm2, vm3;
	s13 =	sadd.s32 s13, s31  }
0x210: {  	v8 =	vand.u32 $0x7F, v8;
	v9 =	vand.u32 $0xFFFFFF80, v9;
	vm1 =	vmand vm1, vm2;
	p1 =	slt.s32 @!p0 s13, s0  }
0x211: {  	v8 =	vor.u32 v8, v9;
	p0 =	por p0, !p1  }
.Ltmp15:
0x212: {  	_ = 	snop;
	(pc) =	sbr.rel @!p0 .LBB2_17-.Ltmp15, $3  }
0x213: {  	_ =	sdelay $0x1  }
0x214: {  	v63 =	vor.u32 s1, v3  }
0x215: {  	s14 =	sadd.s32 $0x1, s14;
	s2 =	sadd.s32 $0x10, s2;
	s1 =	sadd.s32 $0x10, s1;
	[tilespmem:v8+s21+$0x0] =	vst.idx.msk vm1, v63  }
.LBB2_18:
0x216: {  	p0 =	sge.s32 s23, s9;
	s0 =	rddreg [dreg:$0x6]  }
0x217: {  	p1 =	sle.s32 @!p0 s6, s0  }
0x218: {  	p0 =	por p0, p1  }
0x219: {  	p1 =	slt.s32 @!p0 s6, s9  }
0x21a: {  	s0 =	smov.u32 s6;
	p1 =	por !p1, p0  }
0x21b: {  	s0 =	smov.u32 @p1 s9  }
0x21c: {  	s0 =	ssub.s32 @!p0 s0, s23  }
0x21d: {  	p1 =	slt.s32 @!p0 s0, $0x1  }
0x21e: {  	s14 =	simm.s32 @!p0 $0x0;
	p0 =	por p0, p1  }
.Ltmp16:
0x21f: {  	_ = 	snop;
	(pc) =	sbr.rel @p0 .LBB2_20-.Ltmp16, $2  }
0x220: {  	_ =	sdelay $0x2  }
0x221: {  	s1 =	smov.u32 s14;
	s2 =	smov.u32 s14;
	s13 =	smov.u32 s14  }
.LBB2_19:
0x222: {  	v8 =	vld [tilespmem:s2+$0x0];
	_ =	sdelay $0x4  }
0x223: {  	vm1 =	veq.s32 v8, $0x6  }
0x224: {  	v8 =	vsel vm1, $0x1, v2  }
0x225: {  	(xrf0) =	vadd.scan.msk.s32 $0xffff, v8;
	_ =	sdelay $0x5  }
0x226: {  	v8, _, _ =	vpop (xrf0)  }
0x227: {  	(v2sf) =	vpush v8, $0xF;
	_ =	sdelay $0x8  }
0x228: {  	s3 =	sadd.s32 s23, s13  }
0x229: {  	v9 =	vmov s3  }
0x22a: {  	v9 =	vadd.s32 $0xFFFFFFFF, v9  }
0x22b: {  	v9 =	vbroadcast v9, $0x0;
	_ =	sdelay $0x1  }
0x22c: {  	v8 =	vadd.s32 v8, v9  }
0x22d: {  	vm2 =	vge.s32 v8, v0;
	vm3 =	vlt.s32 v8, v1;
	s31 =	spop (v2sf)  }
0x22e: {  	p0 =	sgt.u32 s14, $0xFE;
	v9 =	vsub.s32 v8, v0;
	vm2 =	vmand vm2, vm3;
	s13 =	sadd.s32 s13, s31  }
0x22f: {  	v8 =	vand.u32 $0x7F, v8;
	v9 =	vand.u32 $0xFFFFFF80, v9;
	vm1 =	vmand vm1, vm2;
	p1 =	slt.s32 @!p0 s13, s0  }
0x230: {  	v8 =	vor.u32 v8, v9;
	p0 =	por p0, !p1  }
.Ltmp17:
0x231: {  	_ = 	snop;
	(pc) =	sbr.rel @!p0 .LBB2_19-.Ltmp17, $3  }
0x232: {  	_ =	sdelay $0x1  }
0x233: {  	v63 =	vor.u32 s1, v3  }
0x234: {  	s14 =	sadd.s32 $0x1, s14;
	s2 =	sadd.s32 $0x10, s2;
	s1 =	sadd.s32 $0x10, s1;
	[tilespmem:v8+s21+$0x0] =	vst.idx.msk vm1, v63  }
.LBB2_20:
0x235: {  	p0 =	sge.s32 s6, s9;
	s0 =	rddreg [dreg:$0x6]  }
0x236: {  	p1 =	sle.s32 @!p0 s30, s0  }
0x237: {  	p0 =	por p0, p1  }
0x238: {  	p1 =	slt.s32 @!p0 s30, s9  }
0x239: {  	p1 =	por !p1, p0  }
0x23a: {  	s30 =	smov.u32 @p1 s9  }
0x23b: {  	s0 =	ssub.s32 @!p0 s30, s6  }
0x23c: {  	p1 =	slt.s32 @!p0 s0, $0x1  }
0x23d: {  	s13 =	simm.s32 @!p0 $0x0;
	p0 =	por p0, p1  }
.Ltmp18:
0x23e: {  	_ = 	snop;
	(pc) =	sbr.rel @p0 .LBB2_22-.Ltmp18, $2  }
0x23f: {  	_ =	sdelay $0x2  }
0x240: {  	s1 =	smov.u32 s13;
	s2 =	smov.u32 s13;
	s8 =	smov.u32 s13  }
.LBB2_21:
0x241: {  	v8 =	vld [tilespmem:s2+$0x0];
	_ =	sdelay $0x4  }
0x242: {  	vm1 =	veq.s32 v8, $0x7  }
0x243: {  	v8 =	vsel vm1, $0x1, v2  }
0x244: {  	(xrf0) =	vadd.scan.msk.s32 $0xffff, v8;
	_ =	sdelay $0x5  }
0x245: {  	v8, _, _ =	vpop (xrf0)  }
0x246: {  	(v2sf) =	vpush v8, $0xF;
	_ =	sdelay $0x8  }
0x247: {  	s3 =	sadd.s32 s6, s8  }
0x248: {  	v9 =	vmov s3  }
0x249: {  	v9 =	vadd.s32 $0xFFFFFFFF, v9  }
0x24a: {  	v9 =	vbroadcast v9, $0x0;
	_ =	sdelay $0x1  }
0x24b: {  	v8 =	vadd.s32 v8, v9  }
0x24c: {  	vm2 =	vge.s32 v8, v0;
	vm3 =	vlt.s32 v8, v1;
	s31 =	spop (v2sf)  }
0x24d: {  	p0 =	sgt.u32 s13, $0xFE;
	v9 =	vsub.s32 v8, v0;
	vm2 =	vmand vm2, vm3;
	s8 =	sadd.s32 s8, s31  }
0x24e: {  	v8 =	vand.u32 $0x7F, v8;
	v9 =	vand.u32 $0xFFFFFF80, v9;
	vm1 =	vmand vm1, vm2;
	p1 =	slt.s32 @!p0 s8, s0  }
0x24f: {  	v8 =	vor.u32 v8, v9;
	p0 =	por p0, !p1  }
.Ltmp19:
0x250: {  	_ = 	snop;
	(pc) =	sbr.rel @!p0 .LBB2_21-.Ltmp19, $3  }
0x251: {  	_ =	sdelay $0x1  }
0x252: {  	v63 =	vor.u32 s1, v3  }
0x253: {  	s13 =	sadd.s32 $0x1, s13;
	s2 =	sadd.s32 $0x10, s2;
	s1 =	sadd.s32 $0x10, s1;
	[tilespmem:v8+s21+$0x0] =	vst.idx.msk vm1, v63  }
.Ltmp20:
0x254: {  	_ = 	snop;
	(pc) =	sbr.rel .LBB2_22-.Ltmp20, $1  }
0x255: {  	_ =	sdelay $0x3  }
.LBB2_23:
0x256: {  	_ =	sfence.sel $0x180000  }
0x257: {  	[bflag:$0x0] =	sbarrier.arrive $0xFFFF  }
0x258: {  	_ =	strace $0x90000047  }
0x259: {  	s0 =	stileid.u32;
	[bflag:$0x2] =	sbarrier.arrive $0xFFFF  }
0x25a: {  	p0 =	sne.s32 s0, $0x0;
	s0 =	rddreg [dreg:$0x3]  }
0x25b: {  	s0 =	sadd.s32 @!p0 $0x100000, s0  }
0x25c: {  	[sflag:s0] =	ssyncadd.tile.s32 @!p0 $0x1;
	_ =	shalt  }
.Lfunc_end2:
_tile_overlayer_lowered:
.L_overlay_start_2:
0x25d: {  	(tag) =	ssettag $0x2  }
0x25e: {  	s0 =	rddreg [dreg:$0x0];
	s2 =	stileid.u32  }
0x25f: {  	s1 =	rddreg [dreg:$0x1];
	p0 =	sne.s32 s2, $0x0  }
0x260: {  	s3 =	rddreg [dreg:$0x2];
	[bflag:$0x3] =	sbarrier.arrive $0xFFFF;
	s2 =	simm.s32 @!p0 $0x1C03  }
0x261: {  	[timem:s3], [sflag:s2] =	dma.local @!p0 [hbm:s0], s1  }
0x262: {  	s0 =	simm.s32 @!p0 $0x3  }
0x263: {  	_ =	swait.ge @!p0 [sflag:s0], s1  }
0x264: {  	s1 =	ssub.s32 @!p0 $0x0, s1;
	[sflag:s0] =	ssyncset.done @!p0 $0x0  }
0x265: {  	[sflag:s0] =	ssyncadd.s32 @!p0 s1  }
0x266: {  	[bflag:$0x3] =	sbarrier.arrive $0xFFFF  }
0x267: {  	_ =	shalt  }

</sc_bundles>
